<compile_context>
chip_gen: v7x
topology: tpu7x:2x2x1
jax: 0.10.2.dev20260603
libtpu: 0.0.44.dev20260713+nightly
codegen_flags: <defaults>
</compile_context>

<pallas_src>
import jax
import jax.numpy as jnp
from jax import lax
from jax.experimental import pallas as pl
from jax.experimental.pallas import tpu as pltpu
from jax.experimental.pallas import tpu_sc as plsc

N_NODES = 10000
N_EDGES = 320000
D_FEAT = 128
D_HID = 256
D_OUT = 256

NC = 2
NS = 16
NW = NC * NS
CHUNK = 64
CPT = 168
EPT = CPT * CHUNK
E_PAD = NW * EPT
HALF = CPT // 2
EPH = HALF * CHUNK
ROWS_PAD = 10240
RPT = ROWS_PAD // NS


PREP_B = 24576


def _prep_body(ei, src_out, dst_out):
    g = pl.program_id(0)
    gi = g * PREP_B + jax.lax.broadcasted_iota(jnp.int32, (1, PREP_B), 1)
    real = gi < N_EDGES
    src = jnp.where(real, ei[0:1, :], gi & 8191)
    dst = jnp.where(real, ei[1:2, :], N_NODES + (gi & 127))
    src_out[...] = src.reshape(PREP_B)
    dst_out[...] = dst.reshape(PREP_B)


def _sc_body(x_hbm, src_hbm, dst_hbm, zeros_hbm, zeros1_hbm,
             aggp_hbm, degp_hbm,
             src_v, dst_v, db0, db1, db2, rows_v0, rows_v1, rows_v2, ones_v,
             agg_sh, deg_sh,
             sem_g0, sem_g1, sem_g2, sem_s0, sem_s1, sem_s2,
             sem_d0, sem_d1, sem_d2):
    c = lax.axis_index("c")
    s = lax.axis_index("s")
    wid = s * NC + c

    pltpu.sync_copy(zeros_hbm, agg_sh.at[pl.ds(s * RPT, RPT)])
    pltpu.sync_copy(zeros1_hbm.at[pl.ds(s * RPT, RPT)],
                    deg_sh.at[pl.ds(s * RPT, RPT)])

    ones = jnp.ones((16,), jnp.float32)
    for k in range(CHUNK // 16):
        ones_v[pl.ds(k * 16, 16)] = ones

    rows = (rows_v0, rows_v1, rows_v2)
    dstbuf = (db0, db1, db2)
    sem_g = (sem_g0, sem_g1, sem_g2)
    sem_s = (sem_s0, sem_s1, sem_s2)
    sem_d = (sem_d0, sem_d1, sem_d2)
    base = wid * EPT

    def gather(i, b):
        return pltpu.make_async_copy(
            x_hbm.at[src_v.at[pl.ds(i * CHUNK, CHUNK)]], rows[b], sem_g[b])

    def stage_dst(i, b):
        for j in range(CHUNK // 16):
            dstbuf[b][pl.ds(j * 16, 16)] = dst_v[pl.ds(i * CHUNK + j * 16, 16)]

    def drains(b):
        pltpu.make_async_copy(rows[b], agg_sh.at[dstbuf[b]], sem_s[b]).wait()
        pltpu.make_async_copy(ones_v, deg_sh.at[dstbuf[b]], sem_d[b]).wait()

    plsc.subcore_barrier()

    for h in range(2):
        pltpu.sync_copy(src_hbm.at[pl.ds(base + h * EPH, EPH)], src_v)
        pltpu.sync_copy(dst_hbm.at[pl.ds(base + h * EPH, EPH)], dst_v)

        stage_dst(0, 0)
        stage_dst(1, 1)
        gather(0, 0).start()
        gather(1, 1).start()

        def step(k, carry):
            for b in range(3):
                i = k * 3 + b
                gather(i, b).wait()
                pltpu.async_copy(rows[b], agg_sh.at[dstbuf[b]], sem_s[b],
                                 add=True)
                pltpu.async_copy(ones_v, deg_sh.at[dstbuf[b]], sem_d[b],
                                 add=True)
                nxt = i + 2
                slot = (b + 2) % 3

                @pl.when(nxt < HALF)
                def _():
                    @pl.when(i > 0)
                    def _():
                        drains(slot)
                    stage_dst(nxt, slot)
                    gather(nxt, slot).start()
            return carry

        lax.fori_loop(0, HALF // 3, step, 0)

        for b in range(3):
            drains(b)

    plsc.subcore_barrier()

    pltpu.sync_copy(agg_sh.at[pl.ds(s * RPT, RPT)],
                    aggp_hbm.at[c].at[pl.ds(s * RPT, RPT)])
    pltpu.sync_copy(deg_sh.at[pl.ds(s * RPT, RPT)],
                    degp_hbm.at[c].at[pl.ds(s * RPT, RPT)])


def _mlp_body(a0, a1, dd, w1, b1, w2, b2, out):
    a = a0[0] + a1[0]
    d = (dd[0:1, :] + dd[1:2, :]).reshape(a.shape[0], 1)
    a = a / jnp.maximum(d, 1.0)
    h = jnp.dot(a, w1[...], preferred_element_type=jnp.float32) + b1[...]
    h = jnp.maximum(h, 0.0)
    out[...] = jnp.dot(h, w2[...], preferred_element_type=jnp.float32) + b2[...]


def kernel(x, edge_index, W1, b1, W2, b2):
    ei = edge_index.astype(jnp.int32)
    src, dst = pl.pallas_call(
        _prep_body,
        grid=(E_PAD // PREP_B,),
        in_specs=[pl.BlockSpec((2, PREP_B),
                               lambda g: (0, jnp.minimum(g, N_EDGES // PREP_B)))],
        out_specs=[pl.BlockSpec((PREP_B,), lambda g: (g,)),
                   pl.BlockSpec((PREP_B,), lambda g: (g,))],
        out_shape=[jax.ShapeDtypeStruct((E_PAD,), jnp.int32),
                   jax.ShapeDtypeStruct((E_PAD,), jnp.int32)],
    )(ei)
    zeros = jnp.zeros((RPT, D_FEAT), jnp.float32)
    zeros1 = jnp.zeros((ROWS_PAD,), jnp.float32)

    mesh = plsc.VectorSubcoreMesh(core_axis_name="c", subcore_axis_name="s",
                                  num_cores=NC, num_subcores=NS)
    sc = pl.kernel(
        _sc_body,
        out_type=(
            jax.ShapeDtypeStruct((NC, ROWS_PAD, D_FEAT), jnp.float32),
            jax.ShapeDtypeStruct((NC, ROWS_PAD), jnp.float32),
        ),
        mesh=mesh,
        scratch_types=[
            pltpu.VMEM((EPH,), jnp.int32),
            pltpu.VMEM((EPH,), jnp.int32),
            pltpu.VMEM((CHUNK,), jnp.int32),
            pltpu.VMEM((CHUNK,), jnp.int32),
            pltpu.VMEM((CHUNK,), jnp.int32),
            pltpu.VMEM((CHUNK, D_FEAT), jnp.float32),
            pltpu.VMEM((CHUNK, D_FEAT), jnp.float32),
            pltpu.VMEM((CHUNK, D_FEAT), jnp.float32),
            pltpu.VMEM((CHUNK,), jnp.float32),
            pltpu.VMEM_SHARED((ROWS_PAD, D_FEAT), jnp.float32),
            pltpu.VMEM_SHARED((ROWS_PAD,), jnp.float32),
        ] + [pltpu.SemaphoreType.DMA] * 9,
    )
    aggp, degp = sc(x, src, dst, zeros, zeros1)

    R = 1024
    grid = (-(-N_NODES // R),)
    out = pl.pallas_call(
        _mlp_body,
        grid=grid,
        in_specs=[
            pl.BlockSpec((1, R, D_FEAT), lambda i: (0, i, 0)),
            pl.BlockSpec((1, R, D_FEAT), lambda i: (1, i, 0)),
            pl.BlockSpec((2, R), lambda i: (0, i)),
            pl.BlockSpec((D_FEAT, D_HID), lambda i: (0, 0)),
            pl.BlockSpec((1, D_HID), lambda i: (0, 0)),
            pl.BlockSpec((D_HID, D_OUT), lambda i: (0, 0)),
            pl.BlockSpec((1, D_OUT), lambda i: (0, 0)),
        ],
        out_specs=pl.BlockSpec((R, D_OUT), lambda i: (i, 0)),
        out_shape=jax.ShapeDtypeStruct((N_NODES, D_OUT), jnp.float32),
    )(aggp, aggp, degp, W1, b1.reshape(1, D_HID), W2,
      b2.reshape(1, D_OUT))
    return out

# --- scband reference (transcript-rebuilt; emitter-appended) ---
"""Pipeline reference for scband-net-54228257079474 (READ-ONLY COPY).

The authoritative reference and input builder live on the scoring server;
editing this copy changes nothing except your own understanding.
"""

import jax, jax.numpy as jnp
import numpy as np

N_NODES = 10000
N_EDGES = 320000
D_FEAT = 128
D_HID = 256
D_OUT = 256


def setup_inputs(seed: int = 0) -> dict:
    key = jax.random.key(seed)
    k_x, k_e, k_w1, k_b1, k_w2, k_b2 = jax.random.split(key, 6)
    x = jax.random.normal(k_x, (N_NODES, D_FEAT), dtype=jnp.float32)
    edge_index = jax.random.randint(k_e, (2, N_EDGES), 0, N_NODES, dtype=jnp.int64)
    # MLP params: Linear(D_FEAT->D_HID) + ReLU + Linear(D_HID->D_OUT)
    W1 = jax.random.normal(k_w1, (D_FEAT, D_HID), dtype=jnp.float32) * (1.0 / np.sqrt(D_FEAT))
    b1 = jnp.zeros((D_HID,), dtype=jnp.float32)
    W2 = jax.random.normal(k_w2, (D_HID, D_OUT), dtype=jnp.float32) * (1.0 / np.sqrt(D_HID))
    b2 = jnp.zeros((D_OUT,), dtype=jnp.float32)
    return {"x": x, "edge_index": edge_index, "W1": W1, "b1": b1, "W2": W2, "b2": b2}


def reference(x, edge_index, W1, b1, W2, b2):
    # net.forward with a single (edge_index, _, size) block, kernel=None (isotropic path),
    # adj_norm=True (degree-normalized aggregation), vec_norm=False, dropout=0.
    N = x.shape[0]
    src = edge_index[0]
    dst = edge_index[1]
    # AnisoConv with K=None: message = x[src], scatter-add to dst, degree-normalize (adj_norm)
    msgs = jnp.take(x, src, axis=0)                      # gather  [E, d]
    agg = jax.ops.segment_sum(msgs, dst, num_segments=N) # scatter-add [N, d]
    deg = jax.ops.segment_sum(jnp.ones((src.shape[0],), dtype=x.dtype), dst, num_segments=N)
    agg = agg / jnp.clip(deg, 1.0, None)[:, None]
    # Final MLP (num_layers=2): Linear -> ReLU -> Linear
    h = agg @ W1 + b1
    h = jax.nn.relu(h)
    out = h @ W2 + b2
    return out

if __name__ == "__main__":
    import jax
    _d = setup_inputs()
    print(jax.jit(kernel)(*tuple(_d.values())))

</pallas_src>

<mosaic_0001>
#map = affine_map<(d0, d1) -> (0, 0)>
#map1 = affine_map<(d0, d1) -> (0)>
#map2 = affine_map<(d0, d1) -> (0, 0, 0)>
module attributes {stable_mosaic.version = 14 : i64} {
  func.func @_sc_body(%arg0: i32, %arg1: i32, %arg2: memref<10000x128xf32, #tpu.memory_space<hbm>>, %arg3: memref<344064xi32, #tpu.memory_space<hbm>>, %arg4: memref<344064xi32, #tpu.memory_space<hbm>>, %arg5: memref<640x128xf32, #tpu.memory_space<hbm>>, %arg6: memref<10240xf32, #tpu.memory_space<hbm>>, %arg7: memref<2x10240x128xf32, #tpu.memory_space<hbm>>, %arg8: memref<2x10240xf32, #tpu.memory_space<hbm>>, %arg9: memref<5376xi32, #tpu.memory_space<vmem>>, %arg10: memref<5376xi32, #tpu.memory_space<vmem>>, %arg11: memref<64xi32, #tpu.memory_space<vmem>>, %arg12: memref<64xi32, #tpu.memory_space<vmem>>, %arg13: memref<64xi32, #tpu.memory_space<vmem>>, %arg14: memref<64x128xf32, #tpu.memory_space<vmem>>, %arg15: memref<64x128xf32, #tpu.memory_space<vmem>>, %arg16: memref<64x128xf32, #tpu.memory_space<vmem>>, %arg17: memref<64xf32, #tpu.memory_space<vmem>>, %arg18: memref<10240x128xf32, #tpu.memory_space<vmem_shared>>, %arg19: memref<10240xf32, #tpu.memory_space<vmem_shared>>, %arg20: memref<!tpu.dma_semaphore, #tpu.memory_space<semaphore_mem>>, %arg21: memref<!tpu.dma_semaphore, #tpu.memory_space<semaphore_mem>>, %arg22: memref<!tpu.dma_semaphore, #tpu.memory_space<semaphore_mem>>, %arg23: memref<!tpu.dma_semaphore, #tpu.memory_space<semaphore_mem>>, %arg24: memref<!tpu.dma_semaphore, #tpu.memory_space<semaphore_mem>>, %arg25: memref<!tpu.dma_semaphore, #tpu.memory_space<semaphore_mem>>, %arg26: memref<!tpu.dma_semaphore, #tpu.memory_space<semaphore_mem>>, %arg27: memref<!tpu.dma_semaphore, #tpu.memory_space<semaphore_mem>>, %arg28: memref<!tpu.dma_semaphore, #tpu.memory_space<semaphore_mem>>) attributes {dimension_semantics = [#tpu.dimension_semantics<core_parallel>, #tpu.dimension_semantics<subcore_parallel>], iteration_bounds = array<i64: 2, 16>, scalar_prefetch = 0 : i64, scratch_operands = 20 : i64, tpu.core_type = #tpu.core_type<sc_vector_subcore>, window_params = [{transform_indices = #map}, {transform_indices = #map1}, {transform_indices = #map1}, {transform_indices = #map}, {transform_indices = #map1}, {transform_indices = #map2}, {transform_indices = #map}]} {
    %mul3A = arith.constant 2 : i32
    %mul3A_0 = arith.muli %arg1, %mul3A : i32
    %add3A = arith.addi %mul3A_0, %arg0 : i32
    %mul3A_1 = arith.constant 640 : i32
    %mul3A_2 = arith.muli %arg1, %mul3A_1 : i32
    "tpu.region"() ({
      %run_scoped3A = tpu.sem_alloc : memref<!tpu.dma_semaphore, #tpu.memory_space<semaphore_mem>>
      %dma_start3A_212 = arith.constant 0 : i32
      %dma_start3A_213 = tpu.memref_slice %arg18[%mul3A_2, %dma_start3A_212] : memref<10240x128xf32, #tpu.memory_space<vmem_shared>> -> memref<640x128xf32, #tpu.memory_space<vmem_shared>>
      tpu.enqueue_dma source(%arg5 : memref<640x128xf32, #tpu.memory_space<hbm>>) target(%dma_start3A_213 : memref<640x128xf32, #tpu.memory_space<vmem_shared>>) target_semaphore(%run_scoped3A : memref<!tpu.dma_semaphore, #tpu.memory_space<semaphore_mem>>)
      %dma_wait3A_214 = arith.constant 0 : i32
      %dma_wait3A_215 = tpu.memref_slice %arg18[%mul3A_2, %dma_wait3A_214] : memref<10240x128xf32, #tpu.memory_space<vmem_shared>> -> memref<640x128xf32, #tpu.memory_space<vmem_shared>>
      tpu.wait_dma2 semaphore(%run_scoped3A : memref<!tpu.dma_semaphore, #tpu.memory_space<semaphore_mem>>) src(%arg5 : memref<640x128xf32, #tpu.memory_space<hbm>>) dst(%dma_wait3A_215 : memref<640x128xf32, #tpu.memory_space<vmem_shared>>)
      tpu.yield
    }) : () -> ()
    %mul3A_3 = arith.constant 640 : i32
    %mul3A_4 = arith.muli %arg1, %mul3A_3 : i32
    %mul3A_5 = arith.constant 640 : i32
    %mul3A_6 = arith.muli %arg1, %mul3A_5 : i32
    "tpu.region"() ({
      %run_scoped3A = tpu.sem_alloc : memref<!tpu.dma_semaphore, #tpu.memory_space<semaphore_mem>>
      %dma_start3A_212 = tpu.memref_slice %arg19[%mul3A_6] : memref<10240xf32, #tpu.memory_space<vmem_shared>> -> memref<640xf32, #tpu.memory_space<vmem_shared>>
      %dma_start3A_213 = tpu.memref_slice %arg6[%mul3A_4] : memref<10240xf32, #tpu.memory_space<hbm>> -> memref<640xf32, #tpu.memory_space<hbm>>
      tpu.enqueue_dma source(%dma_start3A_213 : memref<640xf32, #tpu.memory_space<hbm>>) target(%dma_start3A_212 : memref<640xf32, #tpu.memory_space<vmem_shared>>) target_semaphore(%run_scoped3A : memref<!tpu.dma_semaphore, #tpu.memory_space<semaphore_mem>>)
      %dma_wait3A_214 = tpu.memref_slice %arg19[%mul3A_6] : memref<10240xf32, #tpu.memory_space<vmem_shared>> -> memref<640xf32, #tpu.memory_space<vmem_shared>>
      %dma_wait3A_215 = tpu.memref_slice %arg6[%mul3A_4] : memref<10240xf32, #tpu.memory_space<hbm>> -> memref<640xf32, #tpu.memory_space<hbm>>
      tpu.wait_dma2 semaphore(%run_scoped3A : memref<!tpu.dma_semaphore, #tpu.memory_space<semaphore_mem>>) src(%dma_wait3A_215 : memref<640xf32, #tpu.memory_space<hbm>>) dst(%dma_wait3A_214 : memref<640xf32, #tpu.memory_space<vmem_shared>>)
      tpu.yield
    }) : () -> ()
    %broadcast_in_dim3A = arith.constant 1.000000e+00 : f32
    %broadcast_in_dim3A_7 = vector.broadcast %broadcast_in_dim3A : f32 to vector<16xf32>
    %swap3A = arith.constant 0 : index
    %swap3A_8 = tpu.vector_load %arg17[%swap3A] {strides = array<i32>} : memref<64xf32, #tpu.memory_space<vmem>>, vector<16xf32>,
    %swap3A_9 = vector.shape_cast %swap3A_8 : vector<16xf32> to vector<16xf32>
    %swap3A_10 = vector.shape_cast %broadcast_in_dim3A_7 : vector<16xf32> to vector<16xf32>
    tpu.vector_store %arg17[%swap3A], %swap3A_10 {strides = array<i32>} : memref<64xf32, #tpu.memory_space<vmem>>, vector<16xf32>,
    %swap3A_11 = arith.constant 16 : index
    %swap3A_12 = tpu.vector_load %arg17[%swap3A_11] {strides = array<i32>} : memref<64xf32, #tpu.memory_space<vmem>>, vector<16xf32>,
    %swap3A_13 = vector.shape_cast %swap3A_12 : vector<16xf32> to vector<16xf32>
    %swap3A_14 = vector.shape_cast %broadcast_in_dim3A_7 : vector<16xf32> to vector<16xf32>
    tpu.vector_store %arg17[%swap3A_11], %swap3A_14 {strides = array<i32>} : memref<64xf32, #tpu.memory_space<vmem>>, vector<16xf32>,
    %swap3A_15 = arith.constant 32 : index
    %swap3A_16 = tpu.vector_load %arg17[%swap3A_15] {strides = array<i32>} : memref<64xf32, #tpu.memory_space<vmem>>, vector<16xf32>,
    %swap3A_17 = vector.shape_cast %swap3A_16 : vector<16xf32> to vector<16xf32>
    %swap3A_18 = vector.shape_cast %broadcast_in_dim3A_7 : vector<16xf32> to vector<16xf32>
    tpu.vector_store %arg17[%swap3A_15], %swap3A_18 {strides = array<i32>} : memref<64xf32, #tpu.memory_space<vmem>>, vector<16xf32>,
    %swap3A_19 = arith.constant 48 : index
    %swap3A_20 = tpu.vector_load %arg17[%swap3A_19] {strides = array<i32>} : memref<64xf32, #tpu.memory_space<vmem>>, vector<16xf32>,
    %swap3A_21 = vector.shape_cast %swap3A_20 : vector<16xf32> to vector<16xf32>
    %swap3A_22 = vector.shape_cast %broadcast_in_dim3A_7 : vector<16xf32> to vector<16xf32>
    tpu.vector_store %arg17[%swap3A_19], %swap3A_22 {strides = array<i32>} : memref<64xf32, #tpu.memory_space<vmem>>, vector<16xf32>,
    %mul3A_23 = arith.constant 10752 : i32
    %mul3A_24 = arith.muli %add3A, %mul3A_23 : i32
    %barrier3A = arith.constant 0 : index
    tpu.barrier barrier_id(%barrier3A)
    %add3A_25 = arith.constant 0 : i32
    %add3A_26 = arith.addi %mul3A_24, %add3A_25 : i32
    "tpu.region"() ({
      %run_scoped3A = tpu.sem_alloc : memref<!tpu.dma_semaphore, #tpu.memory_space<semaphore_mem>>
      %dma_start3A_212 = tpu.memref_slice %arg3[%add3A_26] : memref<344064xi32, #tpu.memory_space<hbm>> -> memref<5376xi32, #tpu.memory_space<hbm>>
      %dma_start3A_213 = tpu.memref_slice %arg3[%add3A_26] : memref<344064xi32, #tpu.memory_space<hbm>> -> memref<5376xi32, #tpu.memory_space<hbm>>
      tpu.enqueue_dma source(%dma_start3A_213 : memref<5376xi32, #tpu.memory_space<hbm>>) target(%arg9 : memref<5376xi32, #tpu.memory_space<vmem>>) target_semaphore(%run_scoped3A : memref<!tpu.dma_semaphore, #tpu.memory_space<semaphore_mem>>)
      %dma_wait3A_214 = tpu.memref_slice %arg3[%add3A_26] : memref<344064xi32, #tpu.memory_space<hbm>> -> memref<5376xi32, #tpu.memory_space<hbm>>
      %dma_wait3A_215 = tpu.memref_slice %arg3[%add3A_26] : memref<344064xi32, #tpu.memory_space<hbm>> -> memref<5376xi32, #tpu.memory_space<hbm>>
      tpu.wait_dma2 semaphore(%run_scoped3A : memref<!tpu.dma_semaphore, #tpu.memory_space<semaphore_mem>>) src(%dma_wait3A_215 : memref<5376xi32, #tpu.memory_space<hbm>>) dst(%arg9 : memref<5376xi32, #tpu.memory_space<vmem>>)
      tpu.yield
    }) : () -> ()
    %add3A_27 = arith.constant 0 : i32
    %add3A_28 = arith.addi %mul3A_24, %add3A_27 : i32
    "tpu.region"() ({
      %run_scoped3A = tpu.sem_alloc : memref<!tpu.dma_semaphore, #tpu.memory_space<semaphore_mem>>
      %dma_start3A_212 = tpu.memref_slice %arg4[%add3A_28] : memref<344064xi32, #tpu.memory_space<hbm>> -> memref<5376xi32, #tpu.memory_space<hbm>>
      %dma_start3A_213 = tpu.memref_slice %arg4[%add3A_28] : memref<344064xi32, #tpu.memory_space<hbm>> -> memref<5376xi32, #tpu.memory_space<hbm>>
      tpu.enqueue_dma source(%dma_start3A_213 : memref<5376xi32, #tpu.memory_space<hbm>>) target(%arg10 : memref<5376xi32, #tpu.memory_space<vmem>>) target_semaphore(%run_scoped3A : memref<!tpu.dma_semaphore, #tpu.memory_space<semaphore_mem>>)
      %dma_wait3A_214 = tpu.memref_slice %arg4[%add3A_28] : memref<344064xi32, #tpu.memory_space<hbm>> -> memref<5376xi32, #tpu.memory_space<hbm>>
      %dma_wait3A_215 = tpu.memref_slice %arg4[%add3A_28] : memref<344064xi32, #tpu.memory_space<hbm>> -> memref<5376xi32, #tpu.memory_space<hbm>>
      tpu.wait_dma2 semaphore(%run_scoped3A : memref<!tpu.dma_semaphore, #tpu.memory_space<semaphore_mem>>) src(%dma_wait3A_215 : memref<5376xi32, #tpu.memory_space<hbm>>) dst(%arg10 : memref<5376xi32, #tpu.memory_space<vmem>>)
      tpu.yield
    }) : () -> ()
    %get3A = arith.constant 0 : index
    %get3A_29 = tpu.vector_load %arg10[%get3A] {strides = array<i32>} : memref<5376xi32, #tpu.memory_space<vmem>>, vector<16xi32>,
    %get3A_30 = vector.shape_cast %get3A_29 : vector<16xi32> to vector<16xi32>
    %swap3A_31 = arith.constant 0 : index
    %swap3A_32 = tpu.vector_load %arg11[%swap3A_31] {strides = array<i32>} : memref<64xi32, #tpu.memory_space<vmem>>, vector<16xi32>,
    %swap3A_33 = vector.shape_cast %swap3A_32 : vector<16xi32> to vector<16xi32>
    %swap3A_34 = vector.shape_cast %get3A_30 : vector<16xi32> to vector<16xi32>
    tpu.vector_store %arg11[%swap3A_31], %swap3A_34 {strides = array<i32>} : memref<64xi32, #tpu.memory_space<vmem>>, vector<16xi32>,
    %get3A_35 = arith.constant 16 : index
    %get3A_36 = tpu.vector_load %arg10[%get3A_35] {strides = array<i32>} : memref<5376xi32, #tpu.memory_space<vmem>>, vector<16xi32>,
    %get3A_37 = vector.shape_cast %get3A_36 : vector<16xi32> to vector<16xi32>
    %swap3A_38 = arith.constant 16 : index
    %swap3A_39 = tpu.vector_load %arg11[%swap3A_38] {strides = array<i32>} : memref<64xi32, #tpu.memory_space<vmem>>, vector<16xi32>,
    %swap3A_40 = vector.shape_cast %swap3A_39 : vector<16xi32> to vector<16xi32>
    %swap3A_41 = vector.shape_cast %get3A_37 : vector<16xi32> to vector<16xi32>
    tpu.vector_store %arg11[%swap3A_38], %swap3A_41 {strides = array<i32>} : memref<64xi32, #tpu.memory_space<vmem>>, vector<16xi32>,
    %get3A_42 = arith.constant 32 : index
    %get3A_43 = tpu.vector_load %arg10[%get3A_42] {strides = array<i32>} : memref<5376xi32, #tpu.memory_space<vmem>>, vector<16xi32>,
    %get3A_44 = vector.shape_cast %get3A_43 : vector<16xi32> to vector<16xi32>
    %swap3A_45 = arith.constant 32 : index
    %swap3A_46 = tpu.vector_load %arg11[%swap3A_45] {strides = array<i32>} : memref<64xi32, #tpu.memory_space<vmem>>, vector<16xi32>,
    %swap3A_47 = vector.shape_cast %swap3A_46 : vector<16xi32> to vector<16xi32>
    %swap3A_48 = vector.shape_cast %get3A_44 : vector<16xi32> to vector<16xi32>
    tpu.vector_store %arg11[%swap3A_45], %swap3A_48 {strides = array<i32>} : memref<64xi32, #tpu.memory_space<vmem>>, vector<16xi32>,
    %get3A_49 = arith.constant 48 : index
    %get3A_50 = tpu.vector_load %arg10[%get3A_49] {strides = array<i32>} : memref<5376xi32, #tpu.memory_space<vmem>>, vector<16xi32>,
    %get3A_51 = vector.shape_cast %get3A_50 : vector<16xi32> to vector<16xi32>
    %swap3A_52 = arith.constant 48 : index
    %swap3A_53 = tpu.vector_load %arg11[%swap3A_52] {strides = array<i32>} : memref<64xi32, #tpu.memory_space<vmem>>, vector<16xi32>,
    %swap3A_54 = vector.shape_cast %swap3A_53 : vector<16xi32> to vector<16xi32>
    %swap3A_55 = vector.shape_cast %get3A_51 : vector<16xi32> to vector<16xi32>
    tpu.vector_store %arg11[%swap3A_52], %swap3A_55 {strides = array<i32>} : memref<64xi32, #tpu.memory_space<vmem>>, vector<16xi32>,
    %get3A_56 = arith.constant 64 : index
    %get3A_57 = tpu.vector_load %arg10[%get3A_56] {strides = array<i32>} : memref<5376xi32, #tpu.memory_space<vmem>>, vector<16xi32>,
    %get3A_58 = vector.shape_cast %get3A_57 : vector<16xi32> to vector<16xi32>
    %swap3A_59 = arith.constant 0 : index
    %swap3A_60 = tpu.vector_load %arg12[%swap3A_59] {strides = array<i32>} : memref<64xi32, #tpu.memory_space<vmem>>, vector<16xi32>,
    %swap3A_61 = vector.shape_cast %swap3A_60 : vector<16xi32> to vector<16xi32>
    %swap3A_62 = vector.shape_cast %get3A_58 : vector<16xi32> to vector<16xi32>
    tpu.vector_store %arg12[%swap3A_59], %swap3A_62 {strides = array<i32>} : memref<64xi32, #tpu.memory_space<vmem>>, vector<16xi32>,
    %get3A_63 = arith.constant 80 : index
    %get3A_64 = tpu.vector_load %arg10[%get3A_63] {strides = array<i32>} : memref<5376xi32, #tpu.memory_space<vmem>>, vector<16xi32>,
    %get3A_65 = vector.shape_cast %get3A_64 : vector<16xi32> to vector<16xi32>
    %swap3A_66 = arith.constant 16 : index
    %swap3A_67 = tpu.vector_load %arg12[%swap3A_66] {strides = array<i32>} : memref<64xi32, #tpu.memory_space<vmem>>, vector<16xi32>,
    %swap3A_68 = vector.shape_cast %swap3A_67 : vector<16xi32> to vector<16xi32>
    %swap3A_69 = vector.shape_cast %get3A_65 : vector<16xi32> to vector<16xi32>
    tpu.vector_store %arg12[%swap3A_66], %swap3A_69 {strides = array<i32>} : memref<64xi32, #tpu.memory_space<vmem>>, vector<16xi32>,
    %get3A_70 = arith.constant 96 : index
    %get3A_71 = tpu.vector_load %arg10[%get3A_70] {strides = array<i32>} : memref<5376xi32, #tpu.memory_space<vmem>>, vector<16xi32>,
    %get3A_72 = vector.shape_cast %get3A_71 : vector<16xi32> to vector<16xi32>
    %swap3A_73 = arith.constant 32 : index
    %swap3A_74 = tpu.vector_load %arg12[%swap3A_73] {strides = array<i32>} : memref<64xi32, #tpu.memory_space<vmem>>, vector<16xi32>,
    %swap3A_75 = vector.shape_cast %swap3A_74 : vector<16xi32> to vector<16xi32>
    %swap3A_76 = vector.shape_cast %get3A_72 : vector<16xi32> to vector<16xi32>
    tpu.vector_store %arg12[%swap3A_73], %swap3A_76 {strides = array<i32>} : memref<64xi32, #tpu.memory_space<vmem>>, vector<16xi32>,
    %get3A_77 = arith.constant 112 : index
    %get3A_78 = tpu.vector_load %arg10[%get3A_77] {strides = array<i32>} : memref<5376xi32, #tpu.memory_space<vmem>>, vector<16xi32>,
    %get3A_79 = vector.shape_cast %get3A_78 : vector<16xi32> to vector<16xi32>
    %swap3A_80 = arith.constant 48 : index
    %swap3A_81 = tpu.vector_load %arg12[%swap3A_80] {strides = array<i32>} : memref<64xi32, #tpu.memory_space<vmem>>, vector<16xi32>,
    %swap3A_82 = vector.shape_cast %swap3A_81 : vector<16xi32> to vector<16xi32>
    %swap3A_83 = vector.shape_cast %get3A_79 : vector<16xi32> to vector<16xi32>
    tpu.vector_store %arg12[%swap3A_80], %swap3A_83 {strides = array<i32>} : memref<64xi32, #tpu.memory_space<vmem>>, vector<16xi32>,
    %dma_start3A = arith.constant 0 : i32
    %dma_start3A_84 = tpu.memref_slice %arg9[%dma_start3A] : memref<5376xi32, #tpu.memory_space<vmem>> -> memref<64xi32, #tpu.memory_space<vmem>>
    %dma_start3A_85 = arith.constant 0 : i32
    %dma_start3A_86 = arith.constant 0 : i32
    %dma_start3A_87 = tpu.memref_slice %arg2[%dma_start3A_85, %dma_start3A_86] : memref<10000x128xf32, #tpu.memory_space<hbm>> -> memref<10000x128xf32, #tpu.memory_space<hbm>>
    tpu.enqueue_indirect_dma source(%dma_start3A_87 : memref<10000x128xf32, #tpu.memory_space<hbm>>) target(%arg14 : memref<64x128xf32, #tpu.memory_space<vmem>>) offsets(%dma_start3A_84 : memref<64xi32, #tpu.memory_space<vmem>>) semaphore(%arg20 : memref<!tpu.dma_semaphore, #tpu.memory_space<semaphore_mem>>)
    %dma_start3A_88 = arith.constant 64 : i32
    %dma_start3A_89 = tpu.memref_slice %arg9[%dma_start3A_88] : memref<5376xi32, #tpu.memory_space<vmem>> -> memref<64xi32, #tpu.memory_space<vmem>>
    %dma_start3A_90 = arith.constant 0 : i32
    %dma_start3A_91 = arith.constant 0 : i32
    %dma_start3A_92 = tpu.memref_slice %arg2[%dma_start3A_90, %dma_start3A_91] : memref<10000x128xf32, #tpu.memory_space<hbm>> -> memref<10000x128xf32, #tpu.memory_space<hbm>>
    tpu.enqueue_indirect_dma source(%dma_start3A_92 : memref<10000x128xf32, #tpu.memory_space<hbm>>) target(%arg15 : memref<64x128xf32, #tpu.memory_space<vmem>>) offsets(%dma_start3A_89 : memref<64xi32, #tpu.memory_space<vmem>>) semaphore(%arg21 : memref<!tpu.dma_semaphore, #tpu.memory_space<semaphore_mem>>)
    %scan3A = arith.constant 0 : i32
    %scan3A_93 = arith.constant 0 : i32
    %scan3A_94 = arith.constant 28 : i32
    %scan3A_95 = arith.addi %scan3A_93, %scan3A_94 : i32
    %scan3A_96 = arith.constant 1 : i32
    scf.for %scan3A_212 = %scan3A_93 to %scan3A_95 step %scan3A_96  : i32 {
      %mul3A_213 = arith.constant 3 : i32
      %mul3A_214 = arith.muli %scan3A_212, %mul3A_213 : i32
      %add3A_215 = arith.constant 0 : i32
      %add3A_216 = arith.addi %mul3A_214, %add3A_215 : i32
      %mul3A_217 = arith.constant 64 : i32
      %mul3A_218 = arith.muli %add3A_216, %mul3A_217 : i32
      %dma_wait3A_219 = tpu.memref_slice %arg9[%mul3A_218] : memref<5376xi32, #tpu.memory_space<vmem>> -> memref<64xi32, #tpu.memory_space<vmem>>
      %dma_wait3A_220 = arith.constant 0 : i32
      %dma_wait3A_221 = arith.constant 0 : i32
      %dma_wait3A_222 = tpu.memref_slice %arg2[%dma_wait3A_220, %dma_wait3A_221] : memref<10000x128xf32, #tpu.memory_space<hbm>> -> memref<10000x128xf32, #tpu.memory_space<hbm>>
      tpu.wait_indirect_dma semaphore(%arg20 : memref<!tpu.dma_semaphore, #tpu.memory_space<semaphore_mem>>) src(%dma_wait3A_222 : memref<10000x128xf32, #tpu.memory_space<hbm>>) dst(%arg14 : memref<64x128xf32, #tpu.memory_space<vmem>>)
      %dma_start3A_223 = arith.constant 0 : i32
      %dma_start3A_224 = arith.constant 0 : i32
      %dma_start3A_225 = tpu.memref_slice %arg18[%dma_start3A_223, %dma_start3A_224] : memref<10240x128xf32, #tpu.memory_space<vmem_shared>> -> memref<10240x128xf32, #tpu.memory_space<vmem_shared>>
      tpu.enqueue_indirect_dma source(%arg14 : memref<64x128xf32, #tpu.memory_space<vmem>>) target(%dma_start3A_225 : memref<10240x128xf32, #tpu.memory_space<vmem_shared>>) offsets(%arg11 : memref<64xi32, #tpu.memory_space<vmem>>) semaphore(%arg23 : memref<!tpu.dma_semaphore, #tpu.memory_space<semaphore_mem>>) {add = true}
      %dma_start3A_226 = arith.constant 0 : i32
      %dma_start3A_227 = tpu.memref_slice %arg19[%dma_start3A_226] : memref<10240xf32, #tpu.memory_space<vmem_shared>> -> memref<10240xf32, #tpu.memory_space<vmem_shared>>
      tpu.enqueue_indirect_dma source(%arg17 : memref<64xf32, #tpu.memory_space<vmem>>) target(%dma_start3A_227 : memref<10240xf32, #tpu.memory_space<vmem_shared>>) offsets(%arg11 : memref<64xi32, #tpu.memory_space<vmem>>) semaphore(%arg26 : memref<!tpu.dma_semaphore, #tpu.memory_space<semaphore_mem>>) {add = true}
      %add3A_228 = arith.constant 2 : i32
      %add3A_229 = arith.addi %add3A_216, %add3A_228 : i32
      %lt3A = arith.constant 84 : i32
      %lt3A_230 = arith.cmpi slt, %add3A_229, %lt3A : i32
      %convert_element_type3A = arith.extui %lt3A_230 : i1 to i32
      %cond3A = arith.constant 0 : i32
      %cond3A_231 = arith.cmpi ne, %convert_element_type3A, %cond3A : i32
      scf.if %cond3A_231 {
        %gt3A = arith.constant 0 : i32
        %gt3A_276 = arith.cmpi sgt, %add3A_216, %gt3A : i32
        %convert_element_type3A_277 = arith.extui %gt3A_276 : i1 to i32
        %cond3A_278 = arith.constant 0 : i32
        %cond3A_279 = arith.cmpi ne, %convert_element_type3A_277, %cond3A_278 : i32
        scf.if %cond3A_279 {
          %dma_wait3A_330 = arith.constant 0 : i32
          %dma_wait3A_331 = arith.constant 0 : i32
          %dma_wait3A_332 = tpu.memref_slice %arg18[%dma_wait3A_330, %dma_wait3A_331] : memref<10240x128xf32, #tpu.memory_space<vmem_shared>> -> memref<10240x128xf32, #tpu.memory_space<vmem_shared>>
          tpu.wait_indirect_dma semaphore(%arg25 : memref<!tpu.dma_semaphore, #tpu.memory_space<semaphore_mem>>) src(%arg16 : memref<64x128xf32, #tpu.memory_space<vmem>>) dst(%dma_wait3A_332 : memref<10240x128xf32, #tpu.memory_space<vmem_shared>>)
          %dma_wait3A_333 = arith.constant 0 : i32
          %dma_wait3A_334 = tpu.memref_slice %arg19[%dma_wait3A_333] : memref<10240xf32, #tpu.memory_space<vmem_shared>> -> memref<10240xf32, #tpu.memory_space<vmem_shared>>
          tpu.wait_indirect_dma semaphore(%arg28 : memref<!tpu.dma_semaphore, #tpu.memory_space<semaphore_mem>>) src(%arg17 : memref<64xf32, #tpu.memory_space<vmem>>) dst(%dma_wait3A_334 : memref<10240xf32, #tpu.memory_space<vmem_shared>>)
        } else {
        }
        %mul3A_280 = arith.constant 64 : i32
        %mul3A_281 = arith.muli %add3A_229, %mul3A_280 : i32
        %add3A_282 = arith.constant 0 : i32
        %add3A_283 = arith.addi %mul3A_281, %add3A_282 : i32
        %get3A_284 = arith.index_cast %add3A_283 : i32 to index
        %get3A_285 = tpu.vector_load %arg10[%get3A_284] {strides = array<i32>} : memref<5376xi32, #tpu.memory_space<vmem>>, vector<16xi32>,
        %get3A_286 = vector.shape_cast %get3A_285 : vector<16xi32> to vector<16xi32>
        %swap3A_287 = arith.constant 0 : index
        %swap3A_288 = tpu.vector_load %arg13[%swap3A_287] {strides = array<i32>} : memref<64xi32, #tpu.memory_space<vmem>>, vector<16xi32>,
        %swap3A_289 = vector.shape_cast %swap3A_288 : vector<16xi32> to vector<16xi32>
        %swap3A_290 = vector.shape_cast %get3A_286 : vector<16xi32> to vector<16xi32>
        tpu.vector_store %arg13[%swap3A_287], %swap3A_290 {strides = array<i32>} : memref<64xi32, #tpu.memory_space<vmem>>, vector<16xi32>,
        %mul3A_291 = arith.constant 64 : i32
        %mul3A_292 = arith.muli %add3A_229, %mul3A_291 : i32
        %add3A_293 = arith.constant 16 : i32
        %add3A_294 = arith.addi %mul3A_292, %add3A_293 : i32
        %get3A_295 = arith.index_cast %add3A_294 : i32 to index
        %get3A_296 = tpu.vector_load %arg10[%get3A_295] {strides = array<i32>} : memref<5376xi32, #tpu.memory_space<vmem>>, vector<16xi32>,
        %get3A_297 = vector.shape_cast %get3A_296 : vector<16xi32> to vector<16xi32>
        %swap3A_298 = arith.constant 16 : index
        %swap3A_299 = tpu.vector_load %arg13[%swap3A_298] {strides = array<i32>} : memref<64xi32, #tpu.memory_space<vmem>>, vector<16xi32>,
        %swap3A_300 = vector.shape_cast %swap3A_299 : vector<16xi32> to vector<16xi32>
        %swap3A_301 = vector.shape_cast %get3A_297 : vector<16xi32> to vector<16xi32>
        tpu.vector_store %arg13[%swap3A_298], %swap3A_301 {strides = array<i32>} : memref<64xi32, #tpu.memory_space<vmem>>, vector<16xi32>,
        %mul3A_302 = arith.constant 64 : i32
        %mul3A_303 = arith.muli %add3A_229, %mul3A_302 : i32
        %add3A_304 = arith.constant 32 : i32
        %add3A_305 = arith.addi %mul3A_303, %add3A_304 : i32
        %get3A_306 = arith.index_cast %add3A_305 : i32 to index
        %get3A_307 = tpu.vector_load %arg10[%get3A_306] {strides = array<i32>} : memref<5376xi32, #tpu.memory_space<vmem>>, vector<16xi32>,
        %get3A_308 = vector.shape_cast %get3A_307 : vector<16xi32> to vector<16xi32>
        %swap3A_309 = arith.constant 32 : index
        %swap3A_310 = tpu.vector_load %arg13[%swap3A_309] {strides = array<i32>} : memref<64xi32, #tpu.memory_space<vmem>>, vector<16xi32>,
        %swap3A_311 = vector.shape_cast %swap3A_310 : vector<16xi32> to vector<16xi32>
        %swap3A_312 = vector.shape_cast %get3A_308 : vector<16xi32> to vector<16xi32>
        tpu.vector_store %arg13[%swap3A_309], %swap3A_312 {strides = array<i32>} : memref<64xi32, #tpu.memory_space<vmem>>, vector<16xi32>,
        %mul3A_313 = arith.constant 64 : i32
        %mul3A_314 = arith.muli %add3A_229, %mul3A_313 : i32
        %add3A_315 = arith.constant 48 : i32
        %add3A_316 = arith.addi %mul3A_314, %add3A_315 : i32
        %get3A_317 = arith.index_cast %add3A_316 : i32 to index
        %get3A_318 = tpu.vector_load %arg10[%get3A_317] {strides = array<i32>} : memref<5376xi32, #tpu.memory_space<vmem>>, vector<16xi32>,
        %get3A_319 = vector.shape_cast %get3A_318 : vector<16xi32> to vector<16xi32>
        %swap3A_320 = arith.constant 48 : index
        %swap3A_321 = tpu.vector_load %arg13[%swap3A_320] {strides = array<i32>} : memref<64xi32, #tpu.memory_space<vmem>>, vector<16xi32>,
        %swap3A_322 = vector.shape_cast %swap3A_321 : vector<16xi32> to vector<16xi32>
        %swap3A_323 = vector.shape_cast %get3A_319 : vector<16xi32> to vector<16xi32>
        tpu.vector_store %arg13[%swap3A_320], %swap3A_323 {strides = array<i32>} : memref<64xi32, #tpu.memory_space<vmem>>, vector<16xi32>,
        %mul3A_324 = arith.constant 64 : i32
        %mul3A_325 = arith.muli %add3A_229, %mul3A_324 : i32
        %dma_start3A_326 = tpu.memref_slice %arg9[%mul3A_325] : memref<5376xi32, #tpu.memory_space<vmem>> -> memref<64xi32, #tpu.memory_space<vmem>>
        %dma_start3A_327 = arith.constant 0 : i32
        %dma_start3A_328 = arith.constant 0 : i32
        %dma_start3A_329 = tpu.memref_slice %arg2[%dma_start3A_327, %dma_start3A_328] : memref<10000x128xf32, #tpu.memory_space<hbm>> -> memref<10000x128xf32, #tpu.memory_space<hbm>>
        tpu.enqueue_indirect_dma source(%dma_start3A_329 : memref<10000x128xf32, #tpu.memory_space<hbm>>) target(%arg16 : memref<64x128xf32, #tpu.memory_space<vmem>>) offsets(%dma_start3A_326 : memref<64xi32, #tpu.memory_space<vmem>>) semaphore(%arg22 : memref<!tpu.dma_semaphore, #tpu.memory_space<semaphore_mem>>)
      } else {
      }
      %mul3A_232 = arith.constant 3 : i32
      %mul3A_233 = arith.muli %scan3A_212, %mul3A_232 : i32
      %add3A_234 = arith.constant 1 : i32
      %add3A_235 = arith.addi %mul3A_233, %add3A_234 : i32
      %mul3A_236 = arith.constant 64 : i32
      %mul3A_237 = arith.muli %add3A_235, %mul3A_236 : i32
      %dma_wait3A_238 = tpu.memref_slice %arg9[%mul3A_237] : memref<5376xi32, #tpu.memory_space<vmem>> -> memref<64xi32, #tpu.memory_space<vmem>>
      %dma_wait3A_239 = arith.constant 0 : i32
      %dma_wait3A_240 = arith.constant 0 : i32
      %dma_wait3A_241 = tpu.memref_slice %arg2[%dma_wait3A_239, %dma_wait3A_240] : memref<10000x128xf32, #tpu.memory_space<hbm>> -> memref<10000x128xf32, #tpu.memory_space<hbm>>
      tpu.wait_indirect_dma semaphore(%arg21 : memref<!tpu.dma_semaphore, #tpu.memory_space<semaphore_mem>>) src(%dma_wait3A_241 : memref<10000x128xf32, #tpu.memory_space<hbm>>) dst(%arg15 : memref<64x128xf32, #tpu.memory_space<vmem>>)
      %dma_start3A_242 = arith.constant 0 : i32
      %dma_start3A_243 = arith.constant 0 : i32
      %dma_start3A_244 = tpu.memref_slice %arg18[%dma_start3A_242, %dma_start3A_243] : memref<10240x128xf32, #tpu.memory_space<vmem_shared>> -> memref<10240x128xf32, #tpu.memory_space<vmem_shared>>
      tpu.enqueue_indirect_dma source(%arg15 : memref<64x128xf32, #tpu.memory_space<vmem>>) target(%dma_start3A_244 : memref<10240x128xf32, #tpu.memory_space<vmem_shared>>) offsets(%arg12 : memref<64xi32, #tpu.memory_space<vmem>>) semaphore(%arg24 : memref<!tpu.dma_semaphore, #tpu.memory_space<semaphore_mem>>) {add = true}
      %dma_start3A_245 = arith.constant 0 : i32
      %dma_start3A_246 = tpu.memref_slice %arg19[%dma_start3A_245] : memref<10240xf32, #tpu.memory_space<vmem_shared>> -> memref<10240xf32, #tpu.memory_space<vmem_shared>>
      tpu.enqueue_indirect_dma source(%arg17 : memref<64xf32, #tpu.memory_space<vmem>>) target(%dma_start3A_246 : memref<10240xf32, #tpu.memory_space<vmem_shared>>) offsets(%arg12 : memref<64xi32, #tpu.memory_space<vmem>>) semaphore(%arg27 : memref<!tpu.dma_semaphore, #tpu.memory_space<semaphore_mem>>) {add = true}
      %add3A_247 = arith.constant 2 : i32
      %add3A_248 = arith.addi %add3A_235, %add3A_247 : i32
      %lt3A_249 = arith.constant 84 : i32
      %lt3A_250 = arith.cmpi slt, %add3A_248, %lt3A_249 : i32
      %convert_element_type3A_251 = arith.extui %lt3A_250 : i1 to i32
      %cond3A_252 = arith.constant 0 : i32
      %cond3A_253 = arith.cmpi ne, %convert_element_type3A_251, %cond3A_252 : i32
      scf.if %cond3A_253 {
        %gt3A = arith.constant 0 : i32
        %gt3A_276 = arith.cmpi sgt, %add3A_235, %gt3A : i32
        %convert_element_type3A_277 = arith.extui %gt3A_276 : i1 to i32
        %cond3A_278 = arith.constant 0 : i32
        %cond3A_279 = arith.cmpi ne, %convert_element_type3A_277, %cond3A_278 : i32
        scf.if %cond3A_279 {
          %dma_wait3A_330 = arith.constant 0 : i32
          %dma_wait3A_331 = arith.constant 0 : i32
          %dma_wait3A_332 = tpu.memref_slice %arg18[%dma_wait3A_330, %dma_wait3A_331] : memref<10240x128xf32, #tpu.memory_space<vmem_shared>> -> memref<10240x128xf32, #tpu.memory_space<vmem_shared>>
          tpu.wait_indirect_dma semaphore(%arg23 : memref<!tpu.dma_semaphore, #tpu.memory_space<semaphore_mem>>) src(%arg14 : memref<64x128xf32, #tpu.memory_space<vmem>>) dst(%dma_wait3A_332 : memref<10240x128xf32, #tpu.memory_space<vmem_shared>>)
          %dma_wait3A_333 = arith.constant 0 : i32
          %dma_wait3A_334 = tpu.memref_slice %arg19[%dma_wait3A_333] : memref<10240xf32, #tpu.memory_space<vmem_shared>> -> memref<10240xf32, #tpu.memory_space<vmem_shared>>
          tpu.wait_indirect_dma semaphore(%arg26 : memref<!tpu.dma_semaphore, #tpu.memory_space<semaphore_mem>>) src(%arg17 : memref<64xf32, #tpu.memory_space<vmem>>) dst(%dma_wait3A_334 : memref<10240xf32, #tpu.memory_space<vmem_shared>>)
        } else {
        }
        %mul3A_280 = arith.constant 64 : i32
        %mul3A_281 = arith.muli %add3A_248, %mul3A_280 : i32
        %add3A_282 = arith.constant 0 : i32
        %add3A_283 = arith.addi %mul3A_281, %add3A_282 : i32
        %get3A_284 = arith.index_cast %add3A_283 : i32 to index
        %get3A_285 = tpu.vector_load %arg10[%get3A_284] {strides = array<i32>} : memref<5376xi32, #tpu.memory_space<vmem>>, vector<16xi32>,
        %get3A_286 = vector.shape_cast %get3A_285 : vector<16xi32> to vector<16xi32>
        %swap3A_287 = arith.constant 0 : index
        %swap3A_288 = tpu.vector_load %arg11[%swap3A_287] {strides = array<i32>} : memref<64xi32, #tpu.memory_space<vmem>>, vector<16xi32>,
        %swap3A_289 = vector.shape_cast %swap3A_288 : vector<16xi32> to vector<16xi32>
        %swap3A_290 = vector.shape_cast %get3A_286 : vector<16xi32> to vector<16xi32>
        tpu.vector_store %arg11[%swap3A_287], %swap3A_290 {strides = array<i32>} : memref<64xi32, #tpu.memory_space<vmem>>, vector<16xi32>,
        %mul3A_291 = arith.constant 64 : i32
        %mul3A_292 = arith.muli %add3A_248, %mul3A_291 : i32
        %add3A_293 = arith.constant 16 : i32
        %add3A_294 = arith.addi %mul3A_292, %add3A_293 : i32
        %get3A_295 = arith.index_cast %add3A_294 : i32 to index
        %get3A_296 = tpu.vector_load %arg10[%get3A_295] {strides = array<i32>} : memref<5376xi32, #tpu.memory_space<vmem>>, vector<16xi32>,
        %get3A_297 = vector.shape_cast %get3A_296 : vector<16xi32> to vector<16xi32>
        %swap3A_298 = arith.constant 16 : index
        %swap3A_299 = tpu.vector_load %arg11[%swap3A_298] {strides = array<i32>} : memref<64xi32, #tpu.memory_space<vmem>>, vector<16xi32>,
        %swap3A_300 = vector.shape_cast %swap3A_299 : vector<16xi32> to vector<16xi32>
        %swap3A_301 = vector.shape_cast %get3A_297 : vector<16xi32> to vector<16xi32>
        tpu.vector_store %arg11[%swap3A_298], %swap3A_301 {strides = array<i32>} : memref<64xi32, #tpu.memory_space<vmem>>, vector<16xi32>,
        %mul3A_302 = arith.constant 64 : i32
        %mul3A_303 = arith.muli %add3A_248, %mul3A_302 : i32
        %add3A_304 = arith.constant 32 : i32
        %add3A_305 = arith.addi %mul3A_303, %add3A_304 : i32
        %get3A_306 = arith.index_cast %add3A_305 : i32 to index
        %get3A_307 = tpu.vector_load %arg10[%get3A_306] {strides = array<i32>} : memref<5376xi32, #tpu.memory_space<vmem>>, vector<16xi32>,
        %get3A_308 = vector.shape_cast %get3A_307 : vector<16xi32> to vector<16xi32>
        %swap3A_309 = arith.constant 32 : index
        %swap3A_310 = tpu.vector_load %arg11[%swap3A_309] {strides = array<i32>} : memref<64xi32, #tpu.memory_space<vmem>>, vector<16xi32>,
        %swap3A_311 = vector.shape_cast %swap3A_310 : vector<16xi32> to vector<16xi32>
        %swap3A_312 = vector.shape_cast %get3A_308 : vector<16xi32> to vector<16xi32>
        tpu.vector_store %arg11[%swap3A_309], %swap3A_312 {strides = array<i32>} : memref<64xi32, #tpu.memory_space<vmem>>, vector<16xi32>,
        %mul3A_313 = arith.constant 64 : i32
        %mul3A_314 = arith.muli %add3A_248, %mul3A_313 : i32
        %add3A_315 = arith.constant 48 : i32
        %add3A_316 = arith.addi %mul3A_314, %add3A_315 : i32
        %get3A_317 = arith.index_cast %add3A_316 : i32 to index
        %get3A_318 = tpu.vector_load %arg10[%get3A_317] {strides = array<i32>} : memref<5376xi32, #tpu.memory_space<vmem>>, vector<16xi32>,
        %get3A_319 = vector.shape_cast %get3A_318 : vector<16xi32> to vector<16xi32>
        %swap3A_320 = arith.constant 48 : index
        %swap3A_321 = tpu.vector_load %arg11[%swap3A_320] {strides = array<i32>} : memref<64xi32, #tpu.memory_space<vmem>>, vector<16xi32>,
        %swap3A_322 = vector.shape_cast %swap3A_321 : vector<16xi32> to vector<16xi32>
        %swap3A_323 = vector.shape_cast %get3A_319 : vector<16xi32> to vector<16xi32>
        tpu.vector_store %arg11[%swap3A_320], %swap3A_323 {strides = array<i32>} : memref<64xi32, #tpu.memory_space<vmem>>, vector<16xi32>,
        %mul3A_324 = arith.constant 64 : i32
        %mul3A_325 = arith.muli %add3A_248, %mul3A_324 : i32
        %dma_start3A_326 = tpu.memref_slice %arg9[%mul3A_325] : memref<5376xi32, #tpu.memory_space<vmem>> -> memref<64xi32, #tpu.memory_space<vmem>>
        %dma_start3A_327 = arith.constant 0 : i32
        %dma_start3A_328 = arith.constant 0 : i32
        %dma_start3A_329 = tpu.memref_slice %arg2[%dma_start3A_327, %dma_start3A_328] : memref<10000x128xf32, #tpu.memory_space<hbm>> -> memref<10000x128xf32, #tpu.memory_space<hbm>>
        tpu.enqueue_indirect_dma source(%dma_start3A_329 : memref<10000x128xf32, #tpu.memory_space<hbm>>) target(%arg14 : memref<64x128xf32, #tpu.memory_space<vmem>>) offsets(%dma_start3A_326 : memref<64xi32, #tpu.memory_space<vmem>>) semaphore(%arg20 : memref<!tpu.dma_semaphore, #tpu.memory_space<semaphore_mem>>)
      } else {
      }
      %mul3A_254 = arith.constant 3 : i32
      %mul3A_255 = arith.muli %scan3A_212, %mul3A_254 : i32
      %add3A_256 = arith.constant 2 : i32
      %add3A_257 = arith.addi %mul3A_255, %add3A_256 : i32
      %mul3A_258 = arith.constant 64 : i32
      %mul3A_259 = arith.muli %add3A_257, %mul3A_258 : i32
      %dma_wait3A_260 = tpu.memref_slice %arg9[%mul3A_259] : memref<5376xi32, #tpu.memory_space<vmem>> -> memref<64xi32, #tpu.memory_space<vmem>>
      %dma_wait3A_261 = arith.constant 0 : i32
      %dma_wait3A_262 = arith.constant 0 : i32
      %dma_wait3A_263 = tpu.memref_slice %arg2[%dma_wait3A_261, %dma_wait3A_262] : memref<10000x128xf32, #tpu.memory_space<hbm>> -> memref<10000x128xf32, #tpu.memory_space<hbm>>
      tpu.wait_indirect_dma semaphore(%arg22 : memref<!tpu.dma_semaphore, #tpu.memory_space<semaphore_mem>>) src(%dma_wait3A_263 : memref<10000x128xf32, #tpu.memory_space<hbm>>) dst(%arg16 : memref<64x128xf32, #tpu.memory_space<vmem>>)
      %dma_start3A_264 = arith.constant 0 : i32
      %dma_start3A_265 = arith.constant 0 : i32
      %dma_start3A_266 = tpu.memref_slice %arg18[%dma_start3A_264, %dma_start3A_265] : memref<10240x128xf32, #tpu.memory_space<vmem_shared>> -> memref<10240x128xf32, #tpu.memory_space<vmem_shared>>
      tpu.enqueue_indirect_dma source(%arg16 : memref<64x128xf32, #tpu.memory_space<vmem>>) target(%dma_start3A_266 : memref<10240x128xf32, #tpu.memory_space<vmem_shared>>) offsets(%arg13 : memref<64xi32, #tpu.memory_space<vmem>>) semaphore(%arg25 : memref<!tpu.dma_semaphore, #tpu.memory_space<semaphore_mem>>) {add = true}
      %dma_start3A_267 = arith.constant 0 : i32
      %dma_start3A_268 = tpu.memref_slice %arg19[%dma_start3A_267] : memref<10240xf32, #tpu.memory_space<vmem_shared>> -> memref<10240xf32, #tpu.memory_space<vmem_shared>>
      tpu.enqueue_indirect_dma source(%arg17 : memref<64xf32, #tpu.memory_space<vmem>>) target(%dma_start3A_268 : memref<10240xf32, #tpu.memory_space<vmem_shared>>) offsets(%arg13 : memref<64xi32, #tpu.memory_space<vmem>>) semaphore(%arg28 : memref<!tpu.dma_semaphore, #tpu.memory_space<semaphore_mem>>) {add = true}
      %add3A_269 = arith.constant 2 : i32
      %add3A_270 = arith.addi %add3A_257, %add3A_269 : i32
      %lt3A_271 = arith.constant 84 : i32
      %lt3A_272 = arith.cmpi slt, %add3A_270, %lt3A_271 : i32
      %convert_element_type3A_273 = arith.extui %lt3A_272 : i1 to i32
      %cond3A_274 = arith.constant 0 : i32
      %cond3A_275 = arith.cmpi ne, %convert_element_type3A_273, %cond3A_274 : i32
      scf.if %cond3A_275 {
        %gt3A = arith.constant 0 : i32
        %gt3A_276 = arith.cmpi sgt, %add3A_257, %gt3A : i32
        %convert_element_type3A_277 = arith.extui %gt3A_276 : i1 to i32
        %cond3A_278 = arith.constant 0 : i32
        %cond3A_279 = arith.cmpi ne, %convert_element_type3A_277, %cond3A_278 : i32
        scf.if %cond3A_279 {
          %dma_wait3A_330 = arith.constant 0 : i32
          %dma_wait3A_331 = arith.constant 0 : i32
          %dma_wait3A_332 = tpu.memref_slice %arg18[%dma_wait3A_330, %dma_wait3A_331] : memref<10240x128xf32, #tpu.memory_space<vmem_shared>> -> memref<10240x128xf32, #tpu.memory_space<vmem_shared>>
          tpu.wait_indirect_dma semaphore(%arg24 : memref<!tpu.dma_semaphore, #tpu.memory_space<semaphore_mem>>) src(%arg15 : memref<64x128xf32, #tpu.memory_space<vmem>>) dst(%dma_wait3A_332 : memref<10240x128xf32, #tpu.memory_space<vmem_shared>>)
          %dma_wait3A_333 = arith.constant 0 : i32
          %dma_wait3A_334 = tpu.memref_slice %arg19[%dma_wait3A_333] : memref<10240xf32, #tpu.memory_space<vmem_shared>> -> memref<10240xf32, #tpu.memory_space<vmem_shared>>
          tpu.wait_indirect_dma semaphore(%arg27 : memref<!tpu.dma_semaphore, #tpu.memory_space<semaphore_mem>>) src(%arg17 : memref<64xf32, #tpu.memory_space<vmem>>) dst(%dma_wait3A_334 : memref<10240xf32, #tpu.memory_space<vmem_shared>>)
        } else {
        }
        %mul3A_280 = arith.constant 64 : i32
        %mul3A_281 = arith.muli %add3A_270, %mul3A_280 : i32
        %add3A_282 = arith.constant 0 : i32
        %add3A_283 = arith.addi %mul3A_281, %add3A_282 : i32
        %get3A_284 = arith.index_cast %add3A_283 : i32 to index
        %get3A_285 = tpu.vector_load %arg10[%get3A_284] {strides = array<i32>} : memref<5376xi32, #tpu.memory_space<vmem>>, vector<16xi32>,
        %get3A_286 = vector.shape_cast %get3A_285 : vector<16xi32> to vector<16xi32>
        %swap3A_287 = arith.constant 0 : index
        %swap3A_288 = tpu.vector_load %arg12[%swap3A_287] {strides = array<i32>} : memref<64xi32, #tpu.memory_space<vmem>>, vector<16xi32>,
        %swap3A_289 = vector.shape_cast %swap3A_288 : vector<16xi32> to vector<16xi32>
        %swap3A_290 = vector.shape_cast %get3A_286 : vector<16xi32> to vector<16xi32>
        tpu.vector_store %arg12[%swap3A_287], %swap3A_290 {strides = array<i32>} : memref<64xi32, #tpu.memory_space<vmem>>, vector<16xi32>,
        %mul3A_291 = arith.constant 64 : i32
        %mul3A_292 = arith.muli %add3A_270, %mul3A_291 : i32
        %add3A_293 = arith.constant 16 : i32
        %add3A_294 = arith.addi %mul3A_292, %add3A_293 : i32
        %get3A_295 = arith.index_cast %add3A_294 : i32 to index
        %get3A_296 = tpu.vector_load %arg10[%get3A_295] {strides = array<i32>} : memref<5376xi32, #tpu.memory_space<vmem>>, vector<16xi32>,
        %get3A_297 = vector.shape_cast %get3A_296 : vector<16xi32> to vector<16xi32>
        %swap3A_298 = arith.constant 16 : index
        %swap3A_299 = tpu.vector_load %arg12[%swap3A_298] {strides = array<i32>} : memref<64xi32, #tpu.memory_space<vmem>>, vector<16xi32>,
        %swap3A_300 = vector.shape_cast %swap3A_299 : vector<16xi32> to vector<16xi32>
        %swap3A_301 = vector.shape_cast %get3A_297 : vector<16xi32> to vector<16xi32>
        tpu.vector_store %arg12[%swap3A_298], %swap3A_301 {strides = array<i32>} : memref<64xi32, #tpu.memory_space<vmem>>, vector<16xi32>,
        %mul3A_302 = arith.constant 64 : i32
        %mul3A_303 = arith.muli %add3A_270, %mul3A_302 : i32
        %add3A_304 = arith.constant 32 : i32
        %add3A_305 = arith.addi %mul3A_303, %add3A_304 : i32
        %get3A_306 = arith.index_cast %add3A_305 : i32 to index
        %get3A_307 = tpu.vector_load %arg10[%get3A_306] {strides = array<i32>} : memref<5376xi32, #tpu.memory_space<vmem>>, vector<16xi32>,
        %get3A_308 = vector.shape_cast %get3A_307 : vector<16xi32> to vector<16xi32>
        %swap3A_309 = arith.constant 32 : index
        %swap3A_310 = tpu.vector_load %arg12[%swap3A_309] {strides = array<i32>} : memref<64xi32, #tpu.memory_space<vmem>>, vector<16xi32>,
        %swap3A_311 = vector.shape_cast %swap3A_310 : vector<16xi32> to vector<16xi32>
        %swap3A_312 = vector.shape_cast %get3A_308 : vector<16xi32> to vector<16xi32>
        tpu.vector_store %arg12[%swap3A_309], %swap3A_312 {strides = array<i32>} : memref<64xi32, #tpu.memory_space<vmem>>, vector<16xi32>,
        %mul3A_313 = arith.constant 64 : i32
        %mul3A_314 = arith.muli %add3A_270, %mul3A_313 : i32
        %add3A_315 = arith.constant 48 : i32
        %add3A_316 = arith.addi %mul3A_314, %add3A_315 : i32
        %get3A_317 = arith.index_cast %add3A_316 : i32 to index
        %get3A_318 = tpu.vector_load %arg10[%get3A_317] {strides = array<i32>} : memref<5376xi32, #tpu.memory_space<vmem>>, vector<16xi32>,
        %get3A_319 = vector.shape_cast %get3A_318 : vector<16xi32> to vector<16xi32>
        %swap3A_320 = arith.constant 48 : index
        %swap3A_321 = tpu.vector_load %arg12[%swap3A_320] {strides = array<i32>} : memref<64xi32, #tpu.memory_space<vmem>>, vector<16xi32>,
        %swap3A_322 = vector.shape_cast %swap3A_321 : vector<16xi32> to vector<16xi32>
        %swap3A_323 = vector.shape_cast %get3A_319 : vector<16xi32> to vector<16xi32>
        tpu.vector_store %arg12[%swap3A_320], %swap3A_323 {strides = array<i32>} : memref<64xi32, #tpu.memory_space<vmem>>, vector<16xi32>,
        %mul3A_324 = arith.constant 64 : i32
        %mul3A_325 = arith.muli %add3A_270, %mul3A_324 : i32
        %dma_start3A_326 = tpu.memref_slice %arg9[%mul3A_325] : memref<5376xi32, #tpu.memory_space<vmem>> -> memref<64xi32, #tpu.memory_space<vmem>>
        %dma_start3A_327 = arith.constant 0 : i32
        %dma_start3A_328 = arith.constant 0 : i32
        %dma_start3A_329 = tpu.memref_slice %arg2[%dma_start3A_327, %dma_start3A_328] : memref<10000x128xf32, #tpu.memory_space<hbm>> -> memref<10000x128xf32, #tpu.memory_space<hbm>>
        tpu.enqueue_indirect_dma source(%dma_start3A_329 : memref<10000x128xf32, #tpu.memory_space<hbm>>) target(%arg15 : memref<64x128xf32, #tpu.memory_space<vmem>>) offsets(%dma_start3A_326 : memref<64xi32, #tpu.memory_space<vmem>>) semaphore(%arg21 : memref<!tpu.dma_semaphore, #tpu.memory_space<semaphore_mem>>)
      } else {
      }
    }
    %scan3A_97 = arith.constant 28 : i32
    %dma_wait3A = arith.constant 0 : i32
    %dma_wait3A_98 = arith.constant 0 : i32
    %dma_wait3A_99 = tpu.memref_slice %arg18[%dma_wait3A, %dma_wait3A_98] : memref<10240x128xf32, #tpu.memory_space<vmem_shared>> -> memref<10240x128xf32, #tpu.memory_space<vmem_shared>>
    tpu.wait_indirect_dma semaphore(%arg23 : memref<!tpu.dma_semaphore, #tpu.memory_space<semaphore_mem>>) src(%arg14 : memref<64x128xf32, #tpu.memory_space<vmem>>) dst(%dma_wait3A_99 : memref<10240x128xf32, #tpu.memory_space<vmem_shared>>)
    %dma_wait3A_100 = arith.constant 0 : i32
    %dma_wait3A_101 = tpu.memref_slice %arg19[%dma_wait3A_100] : memref<10240xf32, #tpu.memory_space<vmem_shared>> -> memref<10240xf32, #tpu.memory_space<vmem_shared>>
    tpu.wait_indirect_dma semaphore(%arg26 : memref<!tpu.dma_semaphore, #tpu.memory_space<semaphore_mem>>) src(%arg17 : memref<64xf32, #tpu.memory_space<vmem>>) dst(%dma_wait3A_101 : memref<10240xf32, #tpu.memory_space<vmem_shared>>)
    %dma_wait3A_102 = arith.constant 0 : i32
    %dma_wait3A_103 = arith.constant 0 : i32
    %dma_wait3A_104 = tpu.memref_slice %arg18[%dma_wait3A_102, %dma_wait3A_103] : memref<10240x128xf32, #tpu.memory_space<vmem_shared>> -> memref<10240x128xf32, #tpu.memory_space<vmem_shared>>
    tpu.wait_indirect_dma semaphore(%arg24 : memref<!tpu.dma_semaphore, #tpu.memory_space<semaphore_mem>>) src(%arg15 : memref<64x128xf32, #tpu.memory_space<vmem>>) dst(%dma_wait3A_104 : memref<10240x128xf32, #tpu.memory_space<vmem_shared>>)
    %dma_wait3A_105 = arith.constant 0 : i32
    %dma_wait3A_106 = tpu.memref_slice %arg19[%dma_wait3A_105] : memref<10240xf32, #tpu.memory_space<vmem_shared>> -> memref<10240xf32, #tpu.memory_space<vmem_shared>>
    tpu.wait_indirect_dma semaphore(%arg27 : memref<!tpu.dma_semaphore, #tpu.memory_space<semaphore_mem>>) src(%arg17 : memref<64xf32, #tpu.memory_space<vmem>>) dst(%dma_wait3A_106 : memref<10240xf32, #tpu.memory_space<vmem_shared>>)
    %dma_wait3A_107 = arith.constant 0 : i32
    %dma_wait3A_108 = arith.constant 0 : i32
    %dma_wait3A_109 = tpu.memref_slice %arg18[%dma_wait3A_107, %dma_wait3A_108] : memref<10240x128xf32, #tpu.memory_space<vmem_shared>> -> memref<10240x128xf32, #tpu.memory_space<vmem_shared>>
    tpu.wait_indirect_dma semaphore(%arg25 : memref<!tpu.dma_semaphore, #tpu.memory_space<semaphore_mem>>) src(%arg16 : memref<64x128xf32, #tpu.memory_space<vmem>>) dst(%dma_wait3A_109 : memref<10240x128xf32, #tpu.memory_space<vmem_shared>>)
    %dma_wait3A_110 = arith.constant 0 : i32
    %dma_wait3A_111 = tpu.memref_slice %arg19[%dma_wait3A_110] : memref<10240xf32, #tpu.memory_space<vmem_shared>> -> memref<10240xf32, #tpu.memory_space<vmem_shared>>
    tpu.wait_indirect_dma semaphore(%arg28 : memref<!tpu.dma_semaphore, #tpu.memory_space<semaphore_mem>>) src(%arg17 : memref<64xf32, #tpu.memory_space<vmem>>) dst(%dma_wait3A_111 : memref<10240xf32, #tpu.memory_space<vmem_shared>>)
    %add3A_112 = arith.constant 5376 : i32
    %add3A_113 = arith.addi %mul3A_24, %add3A_112 : i32
    "tpu.region"() ({
      %run_scoped3A = tpu.sem_alloc : memref<!tpu.dma_semaphore, #tpu.memory_space<semaphore_mem>>
      %dma_start3A_212 = tpu.memref_slice %arg3[%add3A_113] : memref<344064xi32, #tpu.memory_space<hbm>> -> memref<5376xi32, #tpu.memory_space<hbm>>
      %dma_start3A_213 = tpu.memref_slice %arg3[%add3A_113] : memref<344064xi32, #tpu.memory_space<hbm>> -> memref<5376xi32, #tpu.memory_space<hbm>>
      tpu.enqueue_dma source(%dma_start3A_213 : memref<5376xi32, #tpu.memory_space<hbm>>) target(%arg9 : memref<5376xi32, #tpu.memory_space<vmem>>) target_semaphore(%run_scoped3A : memref<!tpu.dma_semaphore, #tpu.memory_space<semaphore_mem>>)
      %dma_wait3A_214 = tpu.memref_slice %arg3[%add3A_113] : memref<344064xi32, #tpu.memory_space<hbm>> -> memref<5376xi32, #tpu.memory_space<hbm>>
      %dma_wait3A_215 = tpu.memref_slice %arg3[%add3A_113] : memref<344064xi32, #tpu.memory_space<hbm>> -> memref<5376xi32, #tpu.memory_space<hbm>>
      tpu.wait_dma2 semaphore(%run_scoped3A : memref<!tpu.dma_semaphore, #tpu.memory_space<semaphore_mem>>) src(%dma_wait3A_215 : memref<5376xi32, #tpu.memory_space<hbm>>) dst(%arg9 : memref<5376xi32, #tpu.memory_space<vmem>>)
      tpu.yield
    }) : () -> ()
    %add3A_114 = arith.constant 5376 : i32
    %add3A_115 = arith.addi %mul3A_24, %add3A_114 : i32
    "tpu.region"() ({
      %run_scoped3A = tpu.sem_alloc : memref<!tpu.dma_semaphore, #tpu.memory_space<semaphore_mem>>
      %dma_start3A_212 = tpu.memref_slice %arg4[%add3A_115] : memref<344064xi32, #tpu.memory_space<hbm>> -> memref<5376xi32, #tpu.memory_space<hbm>>
      %dma_start3A_213 = tpu.memref_slice %arg4[%add3A_115] : memref<344064xi32, #tpu.memory_space<hbm>> -> memref<5376xi32, #tpu.memory_space<hbm>>
      tpu.enqueue_dma source(%dma_start3A_213 : memref<5376xi32, #tpu.memory_space<hbm>>) target(%arg10 : memref<5376xi32, #tpu.memory_space<vmem>>) target_semaphore(%run_scoped3A : memref<!tpu.dma_semaphore, #tpu.memory_space<semaphore_mem>>)
      %dma_wait3A_214 = tpu.memref_slice %arg4[%add3A_115] : memref<344064xi32, #tpu.memory_space<hbm>> -> memref<5376xi32, #tpu.memory_space<hbm>>
      %dma_wait3A_215 = tpu.memref_slice %arg4[%add3A_115] : memref<344064xi32, #tpu.memory_space<hbm>> -> memref<5376xi32, #tpu.memory_space<hbm>>
      tpu.wait_dma2 semaphore(%run_scoped3A : memref<!tpu.dma_semaphore, #tpu.memory_space<semaphore_mem>>) src(%dma_wait3A_215 : memref<5376xi32, #tpu.memory_space<hbm>>) dst(%arg10 : memref<5376xi32, #tpu.memory_space<vmem>>)
      tpu.yield
    }) : () -> ()
    %get3A_116 = arith.constant 0 : index
    %get3A_117 = tpu.vector_load %arg10[%get3A_116] {strides = array<i32>} : memref<5376xi32, #tpu.memory_space<vmem>>, vector<16xi32>,
    %get3A_118 = vector.shape_cast %get3A_117 : vector<16xi32> to vector<16xi32>
    %swap3A_119 = arith.constant 0 : index
    %swap3A_120 = tpu.vector_load %arg11[%swap3A_119] {strides = array<i32>} : memref<64xi32, #tpu.memory_space<vmem>>, vector<16xi32>,
    %swap3A_121 = vector.shape_cast %swap3A_120 : vector<16xi32> to vector<16xi32>
    %swap3A_122 = vector.shape_cast %get3A_118 : vector<16xi32> to vector<16xi32>
    tpu.vector_store %arg11[%swap3A_119], %swap3A_122 {strides = array<i32>} : memref<64xi32, #tpu.memory_space<vmem>>, vector<16xi32>,
    %get3A_123 = arith.constant 16 : index
    %get3A_124 = tpu.vector_load %arg10[%get3A_123] {strides = array<i32>} : memref<5376xi32, #tpu.memory_space<vmem>>, vector<16xi32>,
    %get3A_125 = vector.shape_cast %get3A_124 : vector<16xi32> to vector<16xi32>
    %swap3A_126 = arith.constant 16 : index
    %swap3A_127 = tpu.vector_load %arg11[%swap3A_126] {strides = array<i32>} : memref<64xi32, #tpu.memory_space<vmem>>, vector<16xi32>,
    %swap3A_128 = vector.shape_cast %swap3A_127 : vector<16xi32> to vector<16xi32>
    %swap3A_129 = vector.shape_cast %get3A_125 : vector<16xi32> to vector<16xi32>
    tpu.vector_store %arg11[%swap3A_126], %swap3A_129 {strides = array<i32>} : memref<64xi32, #tpu.memory_space<vmem>>, vector<16xi32>,
    %get3A_130 = arith.constant 32 : index
    %get3A_131 = tpu.vector_load %arg10[%get3A_130] {strides = array<i32>} : memref<5376xi32, #tpu.memory_space<vmem>>, vector<16xi32>,
    %get3A_132 = vector.shape_cast %get3A_131 : vector<16xi32> to vector<16xi32>
    %swap3A_133 = arith.constant 32 : index
    %swap3A_134 = tpu.vector_load %arg11[%swap3A_133] {strides = array<i32>} : memref<64xi32, #tpu.memory_space<vmem>>, vector<16xi32>,
    %swap3A_135 = vector.shape_cast %swap3A_134 : vector<16xi32> to vector<16xi32>
    %swap3A_136 = vector.shape_cast %get3A_132 : vector<16xi32> to vector<16xi32>
    tpu.vector_store %arg11[%swap3A_133], %swap3A_136 {strides = array<i32>} : memref<64xi32, #tpu.memory_space<vmem>>, vector<16xi32>,
    %get3A_137 = arith.constant 48 : index
    %get3A_138 = tpu.vector_load %arg10[%get3A_137] {strides = array<i32>} : memref<5376xi32, #tpu.memory_space<vmem>>, vector<16xi32>,
    %get3A_139 = vector.shape_cast %get3A_138 : vector<16xi32> to vector<16xi32>
    %swap3A_140 = arith.constant 48 : index
    %swap3A_141 = tpu.vector_load %arg11[%swap3A_140] {strides = array<i32>} : memref<64xi32, #tpu.memory_space<vmem>>, vector<16xi32>,
    %swap3A_142 = vector.shape_cast %swap3A_141 : vector<16xi32> to vector<16xi32>
    %swap3A_143 = vector.shape_cast %get3A_139 : vector<16xi32> to vector<16xi32>
    tpu.vector_store %arg11[%swap3A_140], %swap3A_143 {strides = array<i32>} : memref<64xi32, #tpu.memory_space<vmem>>, vector<16xi32>,
    %get3A_144 = arith.constant 64 : index
    %get3A_145 = tpu.vector_load %arg10[%get3A_144] {strides = array<i32>} : memref<5376xi32, #tpu.memory_space<vmem>>, vector<16xi32>,
    %get3A_146 = vector.shape_cast %get3A_145 : vector<16xi32> to vector<16xi32>
    %swap3A_147 = arith.constant 0 : index
    %swap3A_148 = tpu.vector_load %arg12[%swap3A_147] {strides = array<i32>} : memref<64xi32, #tpu.memory_space<vmem>>, vector<16xi32>,
    %swap3A_149 = vector.shape_cast %swap3A_148 : vector<16xi32> to vector<16xi32>
    %swap3A_150 = vector.shape_cast %get3A_146 : vector<16xi32> to vector<16xi32>
    tpu.vector_store %arg12[%swap3A_147], %swap3A_150 {strides = array<i32>} : memref<64xi32, #tpu.memory_space<vmem>>, vector<16xi32>,
    %get3A_151 = arith.constant 80 : index
    %get3A_152 = tpu.vector_load %arg10[%get3A_151] {strides = array<i32>} : memref<5376xi32, #tpu.memory_space<vmem>>, vector<16xi32>,
    %get3A_153 = vector.shape_cast %get3A_152 : vector<16xi32> to vector<16xi32>
    %swap3A_154 = arith.constant 16 : index
    %swap3A_155 = tpu.vector_load %arg12[%swap3A_154] {strides = array<i32>} : memref<64xi32, #tpu.memory_space<vmem>>, vector<16xi32>,
    %swap3A_156 = vector.shape_cast %swap3A_155 : vector<16xi32> to vector<16xi32>
    %swap3A_157 = vector.shape_cast %get3A_153 : vector<16xi32> to vector<16xi32>
    tpu.vector_store %arg12[%swap3A_154], %swap3A_157 {strides = array<i32>} : memref<64xi32, #tpu.memory_space<vmem>>, vector<16xi32>,
    %get3A_158 = arith.constant 96 : index
    %get3A_159 = tpu.vector_load %arg10[%get3A_158] {strides = array<i32>} : memref<5376xi32, #tpu.memory_space<vmem>>, vector<16xi32>,
    %get3A_160 = vector.shape_cast %get3A_159 : vector<16xi32> to vector<16xi32>
    %swap3A_161 = arith.constant 32 : index
    %swap3A_162 = tpu.vector_load %arg12[%swap3A_161] {strides = array<i32>} : memref<64xi32, #tpu.memory_space<vmem>>, vector<16xi32>,
    %swap3A_163 = vector.shape_cast %swap3A_162 : vector<16xi32> to vector<16xi32>
    %swap3A_164 = vector.shape_cast %get3A_160 : vector<16xi32> to vector<16xi32>
    tpu.vector_store %arg12[%swap3A_161], %swap3A_164 {strides = array<i32>} : memref<64xi32, #tpu.memory_space<vmem>>, vector<16xi32>,
    %get3A_165 = arith.constant 112 : index
    %get3A_166 = tpu.vector_load %arg10[%get3A_165] {strides = array<i32>} : memref<5376xi32, #tpu.memory_space<vmem>>, vector<16xi32>,
    %get3A_167 = vector.shape_cast %get3A_166 : vector<16xi32> to vector<16xi32>
    %swap3A_168 = arith.constant 48 : index
    %swap3A_169 = tpu.vector_load %arg12[%swap3A_168] {strides = array<i32>} : memref<64xi32, #tpu.memory_space<vmem>>, vector<16xi32>,
    %swap3A_170 = vector.shape_cast %swap3A_169 : vector<16xi32> to vector<16xi32>
    %swap3A_171 = vector.shape_cast %get3A_167 : vector<16xi32> to vector<16xi32>
    tpu.vector_store %arg12[%swap3A_168], %swap3A_171 {strides = array<i32>} : memref<64xi32, #tpu.memory_space<vmem>>, vector<16xi32>,
    %dma_start3A_172 = arith.constant 0 : i32
    %dma_start3A_173 = tpu.memref_slice %arg9[%dma_start3A_172] : memref<5376xi32, #tpu.memory_space<vmem>> -> memref<64xi32, #tpu.memory_space<vmem>>
    %dma_start3A_174 = arith.constant 0 : i32
    %dma_start3A_175 = arith.constant 0 : i32
    %dma_start3A_176 = tpu.memref_slice %arg2[%dma_start3A_174, %dma_start3A_175] : memref<10000x128xf32, #tpu.memory_space<hbm>> -> memref<10000x128xf32, #tpu.memory_space<hbm>>
    tpu.enqueue_indirect_dma source(%dma_start3A_176 : memref<10000x128xf32, #tpu.memory_space<hbm>>) target(%arg14 : memref<64x128xf32, #tpu.memory_space<vmem>>) offsets(%dma_start3A_173 : memref<64xi32, #tpu.memory_space<vmem>>) semaphore(%arg20 : memref<!tpu.dma_semaphore, #tpu.memory_space<semaphore_mem>>)
    %dma_start3A_177 = arith.constant 64 : i32
    %dma_start3A_178 = tpu.memref_slice %arg9[%dma_start3A_177] : memref<5376xi32, #tpu.memory_space<vmem>> -> memref<64xi32, #tpu.memory_space<vmem>>
    %dma_start3A_179 = arith.constant 0 : i32
    %dma_start3A_180 = arith.constant 0 : i32
    %dma_start3A_181 = tpu.memref_slice %arg2[%dma_start3A_179, %dma_start3A_180] : memref<10000x128xf32, #tpu.memory_space<hbm>> -> memref<10000x128xf32, #tpu.memory_space<hbm>>
    tpu.enqueue_indirect_dma source(%dma_start3A_181 : memref<10000x128xf32, #tpu.memory_space<hbm>>) target(%arg15 : memref<64x128xf32, #tpu.memory_space<vmem>>) offsets(%dma_start3A_178 : memref<64xi32, #tpu.memory_space<vmem>>) semaphore(%arg21 : memref<!tpu.dma_semaphore, #tpu.memory_space<semaphore_mem>>)
    %scan3A_182 = arith.constant 0 : i32
    %scan3A_183 = arith.constant 0 : i32
    %scan3A_184 = arith.constant 28 : i32
    %scan3A_185 = arith.addi %scan3A_183, %scan3A_184 : i32
    %scan3A_186 = arith.constant 1 : i32
    scf.for %scan3A_212 = %scan3A_183 to %scan3A_185 step %scan3A_186  : i32 {
      %mul3A_213 = arith.constant 3 : i32
      %mul3A_214 = arith.muli %scan3A_212, %mul3A_213 : i32
      %add3A_215 = arith.constant 0 : i32
      %add3A_216 = arith.addi %mul3A_214, %add3A_215 : i32
      %mul3A_217 = arith.constant 64 : i32
      %mul3A_218 = arith.muli %add3A_216, %mul3A_217 : i32
      %dma_wait3A_219 = tpu.memref_slice %arg9[%mul3A_218] : memref<5376xi32, #tpu.memory_space<vmem>> -> memref<64xi32, #tpu.memory_space<vmem>>
      %dma_wait3A_220 = arith.constant 0 : i32
      %dma_wait3A_221 = arith.constant 0 : i32
      %dma_wait3A_222 = tpu.memref_slice %arg2[%dma_wait3A_220, %dma_wait3A_221] : memref<10000x128xf32, #tpu.memory_space<hbm>> -> memref<10000x128xf32, #tpu.memory_space<hbm>>
      tpu.wait_indirect_dma semaphore(%arg20 : memref<!tpu.dma_semaphore, #tpu.memory_space<semaphore_mem>>) src(%dma_wait3A_222 : memref<10000x128xf32, #tpu.memory_space<hbm>>) dst(%arg14 : memref<64x128xf32, #tpu.memory_space<vmem>>)
      %dma_start3A_223 = arith.constant 0 : i32
      %dma_start3A_224 = arith.constant 0 : i32
      %dma_start3A_225 = tpu.memref_slice %arg18[%dma_start3A_223, %dma_start3A_224] : memref<10240x128xf32, #tpu.memory_space<vmem_shared>> -> memref<10240x128xf32, #tpu.memory_space<vmem_shared>>
      tpu.enqueue_indirect_dma source(%arg14 : memref<64x128xf32, #tpu.memory_space<vmem>>) target(%dma_start3A_225 : memref<10240x128xf32, #tpu.memory_space<vmem_shared>>) offsets(%arg11 : memref<64xi32, #tpu.memory_space<vmem>>) semaphore(%arg23 : memref<!tpu.dma_semaphore, #tpu.memory_space<semaphore_mem>>) {add = true}
      %dma_start3A_226 = arith.constant 0 : i32
      %dma_start3A_227 = tpu.memref_slice %arg19[%dma_start3A_226] : memref<10240xf32, #tpu.memory_space<vmem_shared>> -> memref<10240xf32, #tpu.memory_space<vmem_shared>>
      tpu.enqueue_indirect_dma source(%arg17 : memref<64xf32, #tpu.memory_space<vmem>>) target(%dma_start3A_227 : memref<10240xf32, #tpu.memory_space<vmem_shared>>) offsets(%arg11 : memref<64xi32, #tpu.memory_space<vmem>>) semaphore(%arg26 : memref<!tpu.dma_semaphore, #tpu.memory_space<semaphore_mem>>) {add = true}
      %add3A_228 = arith.constant 2 : i32
      %add3A_229 = arith.addi %add3A_216, %add3A_228 : i32
      %lt3A = arith.constant 84 : i32
      %lt3A_230 = arith.cmpi slt, %add3A_229, %lt3A : i32
      %convert_element_type3A = arith.extui %lt3A_230 : i1 to i32
      %cond3A = arith.constant 0 : i32
      %cond3A_231 = arith.cmpi ne, %convert_element_type3A, %cond3A : i32
      scf.if %cond3A_231 {
        %gt3A = arith.constant 0 : i32
        %gt3A_276 = arith.cmpi sgt, %add3A_216, %gt3A : i32
        %convert_element_type3A_277 = arith.extui %gt3A_276 : i1 to i32
        %cond3A_278 = arith.constant 0 : i32
        %cond3A_279 = arith.cmpi ne, %convert_element_type3A_277, %cond3A_278 : i32
        scf.if %cond3A_279 {
          %dma_wait3A_330 = arith.constant 0 : i32
          %dma_wait3A_331 = arith.constant 0 : i32
          %dma_wait3A_332 = tpu.memref_slice %arg18[%dma_wait3A_330, %dma_wait3A_331] : memref<10240x128xf32, #tpu.memory_space<vmem_shared>> -> memref<10240x128xf32, #tpu.memory_space<vmem_shared>>
          tpu.wait_indirect_dma semaphore(%arg25 : memref<!tpu.dma_semaphore, #tpu.memory_space<semaphore_mem>>) src(%arg16 : memref<64x128xf32, #tpu.memory_space<vmem>>) dst(%dma_wait3A_332 : memref<10240x128xf32, #tpu.memory_space<vmem_shared>>)
          %dma_wait3A_333 = arith.constant 0 : i32
          %dma_wait3A_334 = tpu.memref_slice %arg19[%dma_wait3A_333] : memref<10240xf32, #tpu.memory_space<vmem_shared>> -> memref<10240xf32, #tpu.memory_space<vmem_shared>>
          tpu.wait_indirect_dma semaphore(%arg28 : memref<!tpu.dma_semaphore, #tpu.memory_space<semaphore_mem>>) src(%arg17 : memref<64xf32, #tpu.memory_space<vmem>>) dst(%dma_wait3A_334 : memref<10240xf32, #tpu.memory_space<vmem_shared>>)
        } else {
        }
        %mul3A_280 = arith.constant 64 : i32
        %mul3A_281 = arith.muli %add3A_229, %mul3A_280 : i32
        %add3A_282 = arith.constant 0 : i32
        %add3A_283 = arith.addi %mul3A_281, %add3A_282 : i32
        %get3A_284 = arith.index_cast %add3A_283 : i32 to index
        %get3A_285 = tpu.vector_load %arg10[%get3A_284] {strides = array<i32>} : memref<5376xi32, #tpu.memory_space<vmem>>, vector<16xi32>,
        %get3A_286 = vector.shape_cast %get3A_285 : vector<16xi32> to vector<16xi32>
        %swap3A_287 = arith.constant 0 : index
        %swap3A_288 = tpu.vector_load %arg13[%swap3A_287] {strides = array<i32>} : memref<64xi32, #tpu.memory_space<vmem>>, vector<16xi32>,
        %swap3A_289 = vector.shape_cast %swap3A_288 : vector<16xi32> to vector<16xi32>
        %swap3A_290 = vector.shape_cast %get3A_286 : vector<16xi32> to vector<16xi32>
        tpu.vector_store %arg13[%swap3A_287], %swap3A_290 {strides = array<i32>} : memref<64xi32, #tpu.memory_space<vmem>>, vector<16xi32>,
        %mul3A_291 = arith.constant 64 : i32
        %mul3A_292 = arith.muli %add3A_229, %mul3A_291 : i32
        %add3A_293 = arith.constant 16 : i32
        %add3A_294 = arith.addi %mul3A_292, %add3A_293 : i32
        %get3A_295 = arith.index_cast %add3A_294 : i32 to index
        %get3A_296 = tpu.vector_load %arg10[%get3A_295] {strides = array<i32>} : memref<5376xi32, #tpu.memory_space<vmem>>, vector<16xi32>,
        %get3A_297 = vector.shape_cast %get3A_296 : vector<16xi32> to vector<16xi32>
        %swap3A_298 = arith.constant 16 : index
        %swap3A_299 = tpu.vector_load %arg13[%swap3A_298] {strides = array<i32>} : memref<64xi32, #tpu.memory_space<vmem>>, vector<16xi32>,
        %swap3A_300 = vector.shape_cast %swap3A_299 : vector<16xi32> to vector<16xi32>
        %swap3A_301 = vector.shape_cast %get3A_297 : vector<16xi32> to vector<16xi32>
        tpu.vector_store %arg13[%swap3A_298], %swap3A_301 {strides = array<i32>} : memref<64xi32, #tpu.memory_space<vmem>>, vector<16xi32>,
        %mul3A_302 = arith.constant 64 : i32
        %mul3A_303 = arith.muli %add3A_229, %mul3A_302 : i32
        %add3A_304 = arith.constant 32 : i32
        %add3A_305 = arith.addi %mul3A_303, %add3A_304 : i32
        %get3A_306 = arith.index_cast %add3A_305 : i32 to index
        %get3A_307 = tpu.vector_load %arg10[%get3A_306] {strides = array<i32>} : memref<5376xi32, #tpu.memory_space<vmem>>, vector<16xi32>,
        %get3A_308 = vector.shape_cast %get3A_307 : vector<16xi32> to vector<16xi32>
        %swap3A_309 = arith.constant 32 : index
        %swap3A_310 = tpu.vector_load %arg13[%swap3A_309] {strides = array<i32>} : memref<64xi32, #tpu.memory_space<vmem>>, vector<16xi32>,
        %swap3A_311 = vector.shape_cast %swap3A_310 : vector<16xi32> to vector<16xi32>
        %swap3A_312 = vector.shape_cast %get3A_308 : vector<16xi32> to vector<16xi32>
        tpu.vector_store %arg13[%swap3A_309], %swap3A_312 {strides = array<i32>} : memref<64xi32, #tpu.memory_space<vmem>>, vector<16xi32>,
        %mul3A_313 = arith.constant 64 : i32
        %mul3A_314 = arith.muli %add3A_229, %mul3A_313 : i32
        %add3A_315 = arith.constant 48 : i32
        %add3A_316 = arith.addi %mul3A_314, %add3A_315 : i32
        %get3A_317 = arith.index_cast %add3A_316 : i32 to index
        %get3A_318 = tpu.vector_load %arg10[%get3A_317] {strides = array<i32>} : memref<5376xi32, #tpu.memory_space<vmem>>, vector<16xi32>,
        %get3A_319 = vector.shape_cast %get3A_318 : vector<16xi32> to vector<16xi32>
        %swap3A_320 = arith.constant 48 : index
        %swap3A_321 = tpu.vector_load %arg13[%swap3A_320] {strides = array<i32>} : memref<64xi32, #tpu.memory_space<vmem>>, vector<16xi32>,
        %swap3A_322 = vector.shape_cast %swap3A_321 : vector<16xi32> to vector<16xi32>
        %swap3A_323 = vector.shape_cast %get3A_319 : vector<16xi32> to vector<16xi32>
        tpu.vector_store %arg13[%swap3A_320], %swap3A_323 {strides = array<i32>} : memref<64xi32, #tpu.memory_space<vmem>>, vector<16xi32>,
        %mul3A_324 = arith.constant 64 : i32
        %mul3A_325 = arith.muli %add3A_229, %mul3A_324 : i32
        %dma_start3A_326 = tpu.memref_slice %arg9[%mul3A_325] : memref<5376xi32, #tpu.memory_space<vmem>> -> memref<64xi32, #tpu.memory_space<vmem>>
        %dma_start3A_327 = arith.constant 0 : i32
        %dma_start3A_328 = arith.constant 0 : i32
        %dma_start3A_329 = tpu.memref_slice %arg2[%dma_start3A_327, %dma_start3A_328] : memref<10000x128xf32, #tpu.memory_space<hbm>> -> memref<10000x128xf32, #tpu.memory_space<hbm>>
        tpu.enqueue_indirect_dma source(%dma_start3A_329 : memref<10000x128xf32, #tpu.memory_space<hbm>>) target(%arg16 : memref<64x128xf32, #tpu.memory_space<vmem>>) offsets(%dma_start3A_326 : memref<64xi32, #tpu.memory_space<vmem>>) semaphore(%arg22 : memref<!tpu.dma_semaphore, #tpu.memory_space<semaphore_mem>>)
      } else {
      }
      %mul3A_232 = arith.constant 3 : i32
      %mul3A_233 = arith.muli %scan3A_212, %mul3A_232 : i32
      %add3A_234 = arith.constant 1 : i32
      %add3A_235 = arith.addi %mul3A_233, %add3A_234 : i32
      %mul3A_236 = arith.constant 64 : i32
      %mul3A_237 = arith.muli %add3A_235, %mul3A_236 : i32
      %dma_wait3A_238 = tpu.memref_slice %arg9[%mul3A_237] : memref<5376xi32, #tpu.memory_space<vmem>> -> memref<64xi32, #tpu.memory_space<vmem>>
      %dma_wait3A_239 = arith.constant 0 : i32
      %dma_wait3A_240 = arith.constant 0 : i32
      %dma_wait3A_241 = tpu.memref_slice %arg2[%dma_wait3A_239, %dma_wait3A_240] : memref<10000x128xf32, #tpu.memory_space<hbm>> -> memref<10000x128xf32, #tpu.memory_space<hbm>>
      tpu.wait_indirect_dma semaphore(%arg21 : memref<!tpu.dma_semaphore, #tpu.memory_space<semaphore_mem>>) src(%dma_wait3A_241 : memref<10000x128xf32, #tpu.memory_space<hbm>>) dst(%arg15 : memref<64x128xf32, #tpu.memory_space<vmem>>)
      %dma_start3A_242 = arith.constant 0 : i32
      %dma_start3A_243 = arith.constant 0 : i32
      %dma_start3A_244 = tpu.memref_slice %arg18[%dma_start3A_242, %dma_start3A_243] : memref<10240x128xf32, #tpu.memory_space<vmem_shared>> -> memref<10240x128xf32, #tpu.memory_space<vmem_shared>>
      tpu.enqueue_indirect_dma source(%arg15 : memref<64x128xf32, #tpu.memory_space<vmem>>) target(%dma_start3A_244 : memref<10240x128xf32, #tpu.memory_space<vmem_shared>>) offsets(%arg12 : memref<64xi32, #tpu.memory_space<vmem>>) semaphore(%arg24 : memref<!tpu.dma_semaphore, #tpu.memory_space<semaphore_mem>>) {add = true}
      %dma_start3A_245 = arith.constant 0 : i32
      %dma_start3A_246 = tpu.memref_slice %arg19[%dma_start3A_245] : memref<10240xf32, #tpu.memory_space<vmem_shared>> -> memref<10240xf32, #tpu.memory_space<vmem_shared>>
      tpu.enqueue_indirect_dma source(%arg17 : memref<64xf32, #tpu.memory_space<vmem>>) target(%dma_start3A_246 : memref<10240xf32, #tpu.memory_space<vmem_shared>>) offsets(%arg12 : memref<64xi32, #tpu.memory_space<vmem>>) semaphore(%arg27 : memref<!tpu.dma_semaphore, #tpu.memory_space<semaphore_mem>>) {add = true}
      %add3A_247 = arith.constant 2 : i32
      %add3A_248 = arith.addi %add3A_235, %add3A_247 : i32
      %lt3A_249 = arith.constant 84 : i32
      %lt3A_250 = arith.cmpi slt, %add3A_248, %lt3A_249 : i32
      %convert_element_type3A_251 = arith.extui %lt3A_250 : i1 to i32
      %cond3A_252 = arith.constant 0 : i32
      %cond3A_253 = arith.cmpi ne, %convert_element_type3A_251, %cond3A_252 : i32
      scf.if %cond3A_253 {
        %gt3A = arith.constant 0 : i32
        %gt3A_276 = arith.cmpi sgt, %add3A_235, %gt3A : i32
        %convert_element_type3A_277 = arith.extui %gt3A_276 : i1 to i32
        %cond3A_278 = arith.constant 0 : i32
        %cond3A_279 = arith.cmpi ne, %convert_element_type3A_277, %cond3A_278 : i32
        scf.if %cond3A_279 {
          %dma_wait3A_330 = arith.constant 0 : i32
          %dma_wait3A_331 = arith.constant 0 : i32
          %dma_wait3A_332 = tpu.memref_slice %arg18[%dma_wait3A_330, %dma_wait3A_331] : memref<10240x128xf32, #tpu.memory_space<vmem_shared>> -> memref<10240x128xf32, #tpu.memory_space<vmem_shared>>
          tpu.wait_indirect_dma semaphore(%arg23 : memref<!tpu.dma_semaphore, #tpu.memory_space<semaphore_mem>>) src(%arg14 : memref<64x128xf32, #tpu.memory_space<vmem>>) dst(%dma_wait3A_332 : memref<10240x128xf32, #tpu.memory_space<vmem_shared>>)
          %dma_wait3A_333 = arith.constant 0 : i32
          %dma_wait3A_334 = tpu.memref_slice %arg19[%dma_wait3A_333] : memref<10240xf32, #tpu.memory_space<vmem_shared>> -> memref<10240xf32, #tpu.memory_space<vmem_shared>>
          tpu.wait_indirect_dma semaphore(%arg26 : memref<!tpu.dma_semaphore, #tpu.memory_space<semaphore_mem>>) src(%arg17 : memref<64xf32, #tpu.memory_space<vmem>>) dst(%dma_wait3A_334 : memref<10240xf32, #tpu.memory_space<vmem_shared>>)
        } else {
        }
        %mul3A_280 = arith.constant 64 : i32
        %mul3A_281 = arith.muli %add3A_248, %mul3A_280 : i32
        %add3A_282 = arith.constant 0 : i32
        %add3A_283 = arith.addi %mul3A_281, %add3A_282 : i32
        %get3A_284 = arith.index_cast %add3A_283 : i32 to index
        %get3A_285 = tpu.vector_load %arg10[%get3A_284] {strides = array<i32>} : memref<5376xi32, #tpu.memory_space<vmem>>, vector<16xi32>,
        %get3A_286 = vector.shape_cast %get3A_285 : vector<16xi32> to vector<16xi32>
        %swap3A_287 = arith.constant 0 : index
        %swap3A_288 = tpu.vector_load %arg11[%swap3A_287] {strides = array<i32>} : memref<64xi32, #tpu.memory_space<vmem>>, vector<16xi32>,
        %swap3A_289 = vector.shape_cast %swap3A_288 : vector<16xi32> to vector<16xi32>
        %swap3A_290 = vector.shape_cast %get3A_286 : vector<16xi32> to vector<16xi32>
        tpu.vector_store %arg11[%swap3A_287], %swap3A_290 {strides = array<i32>} : memref<64xi32, #tpu.memory_space<vmem>>, vector<16xi32>,
        %mul3A_291 = arith.constant 64 : i32
        %mul3A_292 = arith.muli %add3A_248, %mul3A_291 : i32
        %add3A_293 = arith.constant 16 : i32
        %add3A_294 = arith.addi %mul3A_292, %add3A_293 : i32
        %get3A_295 = arith.index_cast %add3A_294 : i32 to index
        %get3A_296 = tpu.vector_load %arg10[%get3A_295] {strides = array<i32>} : memref<5376xi32, #tpu.memory_space<vmem>>, vector<16xi32>,
        %get3A_297 = vector.shape_cast %get3A_296 : vector<16xi32> to vector<16xi32>
        %swap3A_298 = arith.constant 16 : index
        %swap3A_299 = tpu.vector_load %arg11[%swap3A_298] {strides = array<i32>} : memref<64xi32, #tpu.memory_space<vmem>>, vector<16xi32>,
        %swap3A_300 = vector.shape_cast %swap3A_299 : vector<16xi32> to vector<16xi32>
        %swap3A_301 = vector.shape_cast %get3A_297 : vector<16xi32> to vector<16xi32>
        tpu.vector_store %arg11[%swap3A_298], %swap3A_301 {strides = array<i32>} : memref<64xi32, #tpu.memory_space<vmem>>, vector<16xi32>,
        %mul3A_302 = arith.constant 64 : i32
        %mul3A_303 = arith.muli %add3A_248, %mul3A_302 : i32
        %add3A_304 = arith.constant 32 : i32
        %add3A_305 = arith.addi %mul3A_303, %add3A_304 : i32
        %get3A_306 = arith.index_cast %add3A_305 : i32 to index
        %get3A_307 = tpu.vector_load %arg10[%get3A_306] {strides = array<i32>} : memref<5376xi32, #tpu.memory_space<vmem>>, vector<16xi32>,
        %get3A_308 = vector.shape_cast %get3A_307 : vector<16xi32> to vector<16xi32>
        %swap3A_309 = arith.constant 32 : index
        %swap3A_310 = tpu.vector_load %arg11[%swap3A_309] {strides = array<i32>} : memref<64xi32, #tpu.memory_space<vmem>>, vector<16xi32>,
        %swap3A_311 = vector.shape_cast %swap3A_310 : vector<16xi32> to vector<16xi32>
        %swap3A_312 = vector.shape_cast %get3A_308 : vector<16xi32> to vector<16xi32>
        tpu.vector_store %arg11[%swap3A_309], %swap3A_312 {strides = array<i32>} : memref<64xi32, #tpu.memory_space<vmem>>, vector<16xi32>,
        %mul3A_313 = arith.constant 64 : i32
        %mul3A_314 = arith.muli %add3A_248, %mul3A_313 : i32
        %add3A_315 = arith.constant 48 : i32
        %add3A_316 = arith.addi %mul3A_314, %add3A_315 : i32
        %get3A_317 = arith.index_cast %add3A_316 : i32 to index
        %get3A_318 = tpu.vector_load %arg10[%get3A_317] {strides = array<i32>} : memref<5376xi32, #tpu.memory_space<vmem>>, vector<16xi32>,
        %get3A_319 = vector.shape_cast %get3A_318 : vector<16xi32> to vector<16xi32>
        %swap3A_320 = arith.constant 48 : index
        %swap3A_321 = tpu.vector_load %arg11[%swap3A_320] {strides = array<i32>} : memref<64xi32, #tpu.memory_space<vmem>>, vector<16xi32>,
        %swap3A_322 = vector.shape_cast %swap3A_321 : vector<16xi32> to vector<16xi32>
        %swap3A_323 = vector.shape_cast %get3A_319 : vector<16xi32> to vector<16xi32>
        tpu.vector_store %arg11[%swap3A_320], %swap3A_323 {strides = array<i32>} : memref<64xi32, #tpu.memory_space<vmem>>, vector<16xi32>,
        %mul3A_324 = arith.constant 64 : i32
        %mul3A_325 = arith.muli %add3A_248, %mul3A_324 : i32
        %dma_start3A_326 = tpu.memref_slice %arg9[%mul3A_325] : memref<5376xi32, #tpu.memory_space<vmem>> -> memref<64xi32, #tpu.memory_space<vmem>>
        %dma_start3A_327 = arith.constant 0 : i32
        %dma_start3A_328 = arith.constant 0 : i32
        %dma_start3A_329 = tpu.memref_slice %arg2[%dma_start3A_327, %dma_start3A_328] : memref<10000x128xf32, #tpu.memory_space<hbm>> -> memref<10000x128xf32, #tpu.memory_space<hbm>>
        tpu.enqueue_indirect_dma source(%dma_start3A_329 : memref<10000x128xf32, #tpu.memory_space<hbm>>) target(%arg14 : memref<64x128xf32, #tpu.memory_space<vmem>>) offsets(%dma_start3A_326 : memref<64xi32, #tpu.memory_space<vmem>>) semaphore(%arg20 : memref<!tpu.dma_semaphore, #tpu.memory_space<semaphore_mem>>)
      } else {
      }
      %mul3A_254 = arith.constant 3 : i32
      %mul3A_255 = arith.muli %scan3A_212, %mul3A_254 : i32
      %add3A_256 = arith.constant 2 : i32
      %add3A_257 = arith.addi %mul3A_255, %add3A_256 : i32
      %mul3A_258 = arith.constant 64 : i32
      %mul3A_259 = arith.muli %add3A_257, %mul3A_258 : i32
      %dma_wait3A_260 = tpu.memref_slice %arg9[%mul3A_259] : memref<5376xi32, #tpu.memory_space<vmem>> -> memref<64xi32, #tpu.memory_space<vmem>>
      %dma_wait3A_261 = arith.constant 0 : i32
      %dma_wait3A_262 = arith.constant 0 : i32
      %dma_wait3A_263 = tpu.memref_slice %arg2[%dma_wait3A_261, %dma_wait3A_262] : memref<10000x128xf32, #tpu.memory_space<hbm>> -> memref<10000x128xf32, #tpu.memory_space<hbm>>
      tpu.wait_indirect_dma semaphore(%arg22 : memref<!tpu.dma_semaphore, #tpu.memory_space<semaphore_mem>>) src(%dma_wait3A_263 : memref<10000x128xf32, #tpu.memory_space<hbm>>) dst(%arg16 : memref<64x128xf32, #tpu.memory_space<vmem>>)
      %dma_start3A_264 = arith.constant 0 : i32
      %dma_start3A_265 = arith.constant 0 : i32
      %dma_start3A_266 = tpu.memref_slice %arg18[%dma_start3A_264, %dma_start3A_265] : memref<10240x128xf32, #tpu.memory_space<vmem_shared>> -> memref<10240x128xf32, #tpu.memory_space<vmem_shared>>
      tpu.enqueue_indirect_dma source(%arg16 : memref<64x128xf32, #tpu.memory_space<vmem>>) target(%dma_start3A_266 : memref<10240x128xf32, #tpu.memory_space<vmem_shared>>) offsets(%arg13 : memref<64xi32, #tpu.memory_space<vmem>>) semaphore(%arg25 : memref<!tpu.dma_semaphore, #tpu.memory_space<semaphore_mem>>) {add = true}
      %dma_start3A_267 = arith.constant 0 : i32
      %dma_start3A_268 = tpu.memref_slice %arg19[%dma_start3A_267] : memref<10240xf32, #tpu.memory_space<vmem_shared>> -> memref<10240xf32, #tpu.memory_space<vmem_shared>>
      tpu.enqueue_indirect_dma source(%arg17 : memref<64xf32, #tpu.memory_space<vmem>>) target(%dma_start3A_268 : memref<10240xf32, #tpu.memory_space<vmem_shared>>) offsets(%arg13 : memref<64xi32, #tpu.memory_space<vmem>>) semaphore(%arg28 : memref<!tpu.dma_semaphore, #tpu.memory_space<semaphore_mem>>) {add = true}
      %add3A_269 = arith.constant 2 : i32
      %add3A_270 = arith.addi %add3A_257, %add3A_269 : i32
      %lt3A_271 = arith.constant 84 : i32
      %lt3A_272 = arith.cmpi slt, %add3A_270, %lt3A_271 : i32
      %convert_element_type3A_273 = arith.extui %lt3A_272 : i1 to i32
      %cond3A_274 = arith.constant 0 : i32
      %cond3A_275 = arith.cmpi ne, %convert_element_type3A_273, %cond3A_274 : i32
      scf.if %cond3A_275 {
        %gt3A = arith.constant 0 : i32
        %gt3A_276 = arith.cmpi sgt, %add3A_257, %gt3A : i32
        %convert_element_type3A_277 = arith.extui %gt3A_276 : i1 to i32
        %cond3A_278 = arith.constant 0 : i32
        %cond3A_279 = arith.cmpi ne, %convert_element_type3A_277, %cond3A_278 : i32
        scf.if %cond3A_279 {
          %dma_wait3A_330 = arith.constant 0 : i32
          %dma_wait3A_331 = arith.constant 0 : i32
          %dma_wait3A_332 = tpu.memref_slice %arg18[%dma_wait3A_330, %dma_wait3A_331] : memref<10240x128xf32, #tpu.memory_space<vmem_shared>> -> memref<10240x128xf32, #tpu.memory_space<vmem_shared>>
          tpu.wait_indirect_dma semaphore(%arg24 : memref<!tpu.dma_semaphore, #tpu.memory_space<semaphore_mem>>) src(%arg15 : memref<64x128xf32, #tpu.memory_space<vmem>>) dst(%dma_wait3A_332 : memref<10240x128xf32, #tpu.memory_space<vmem_shared>>)
          %dma_wait3A_333 = arith.constant 0 : i32
          %dma_wait3A_334 = tpu.memref_slice %arg19[%dma_wait3A_333] : memref<10240xf32, #tpu.memory_space<vmem_shared>> -> memref<10240xf32, #tpu.memory_space<vmem_shared>>
          tpu.wait_indirect_dma semaphore(%arg27 : memref<!tpu.dma_semaphore, #tpu.memory_space<semaphore_mem>>) src(%arg17 : memref<64xf32, #tpu.memory_space<vmem>>) dst(%dma_wait3A_334 : memref<10240xf32, #tpu.memory_space<vmem_shared>>)
        } else {
        }
        %mul3A_280 = arith.constant 64 : i32
        %mul3A_281 = arith.muli %add3A_270, %mul3A_280 : i32
        %add3A_282 = arith.constant 0 : i32
        %add3A_283 = arith.addi %mul3A_281, %add3A_282 : i32
        %get3A_284 = arith.index_cast %add3A_283 : i32 to index
        %get3A_285 = tpu.vector_load %arg10[%get3A_284] {strides = array<i32>} : memref<5376xi32, #tpu.memory_space<vmem>>, vector<16xi32>,
        %get3A_286 = vector.shape_cast %get3A_285 : vector<16xi32> to vector<16xi32>
        %swap3A_287 = arith.constant 0 : index
        %swap3A_288 = tpu.vector_load %arg12[%swap3A_287] {strides = array<i32>} : memref<64xi32, #tpu.memory_space<vmem>>, vector<16xi32>,
        %swap3A_289 = vector.shape_cast %swap3A_288 : vector<16xi32> to vector<16xi32>
        %swap3A_290 = vector.shape_cast %get3A_286 : vector<16xi32> to vector<16xi32>
        tpu.vector_store %arg12[%swap3A_287], %swap3A_290 {strides = array<i32>} : memref<64xi32, #tpu.memory_space<vmem>>, vector<16xi32>,
        %mul3A_291 = arith.constant 64 : i32
        %mul3A_292 = arith.muli %add3A_270, %mul3A_291 : i32
        %add3A_293 = arith.constant 16 : i32
        %add3A_294 = arith.addi %mul3A_292, %add3A_293 : i32
        %get3A_295 = arith.index_cast %add3A_294 : i32 to index
        %get3A_296 = tpu.vector_load %arg10[%get3A_295] {strides = array<i32>} : memref<5376xi32, #tpu.memory_space<vmem>>, vector<16xi32>,
        %get3A_297 = vector.shape_cast %get3A_296 : vector<16xi32> to vector<16xi32>
        %swap3A_298 = arith.constant 16 : index
        %swap3A_299 = tpu.vector_load %arg12[%swap3A_298] {strides = array<i32>} : memref<64xi32, #tpu.memory_space<vmem>>, vector<16xi32>,
        %swap3A_300 = vector.shape_cast %swap3A_299 : vector<16xi32> to vector<16xi32>
        %swap3A_301 = vector.shape_cast %get3A_297 : vector<16xi32> to vector<16xi32>
        tpu.vector_store %arg12[%swap3A_298], %swap3A_301 {strides = array<i32>} : memref<64xi32, #tpu.memory_space<vmem>>, vector<16xi32>,
        %mul3A_302 = arith.constant 64 : i32
        %mul3A_303 = arith.muli %add3A_270, %mul3A_302 : i32
        %add3A_304 = arith.constant 32 : i32
        %add3A_305 = arith.addi %mul3A_303, %add3A_304 : i32
        %get3A_306 = arith.index_cast %add3A_305 : i32 to index
        %get3A_307 = tpu.vector_load %arg10[%get3A_306] {strides = array<i32>} : memref<5376xi32, #tpu.memory_space<vmem>>, vector<16xi32>,
        %get3A_308 = vector.shape_cast %get3A_307 : vector<16xi32> to vector<16xi32>
        %swap3A_309 = arith.constant 32 : index
        %swap3A_310 = tpu.vector_load %arg12[%swap3A_309] {strides = array<i32>} : memref<64xi32, #tpu.memory_space<vmem>>, vector<16xi32>,
        %swap3A_311 = vector.shape_cast %swap3A_310 : vector<16xi32> to vector<16xi32>
        %swap3A_312 = vector.shape_cast %get3A_308 : vector<16xi32> to vector<16xi32>
        tpu.vector_store %arg12[%swap3A_309], %swap3A_312 {strides = array<i32>} : memref<64xi32, #tpu.memory_space<vmem>>, vector<16xi32>,
        %mul3A_313 = arith.constant 64 : i32
        %mul3A_314 = arith.muli %add3A_270, %mul3A_313 : i32
        %add3A_315 = arith.constant 48 : i32
        %add3A_316 = arith.addi %mul3A_314, %add3A_315 : i32
        %get3A_317 = arith.index_cast %add3A_316 : i32 to index
        %get3A_318 = tpu.vector_load %arg10[%get3A_317] {strides = array<i32>} : memref<5376xi32, #tpu.memory_space<vmem>>, vector<16xi32>,
        %get3A_319 = vector.shape_cast %get3A_318 : vector<16xi32> to vector<16xi32>
        %swap3A_320 = arith.constant 48 : index
        %swap3A_321 = tpu.vector_load %arg12[%swap3A_320] {strides = array<i32>} : memref<64xi32, #tpu.memory_space<vmem>>, vector<16xi32>,
        %swap3A_322 = vector.shape_cast %swap3A_321 : vector<16xi32> to vector<16xi32>
        %swap3A_323 = vector.shape_cast %get3A_319 : vector<16xi32> to vector<16xi32>
        tpu.vector_store %arg12[%swap3A_320], %swap3A_323 {strides = array<i32>} : memref<64xi32, #tpu.memory_space<vmem>>, vector<16xi32>,
        %mul3A_324 = arith.constant 64 : i32
        %mul3A_325 = arith.muli %add3A_270, %mul3A_324 : i32
        %dma_start3A_326 = tpu.memref_slice %arg9[%mul3A_325] : memref<5376xi32, #tpu.memory_space<vmem>> -> memref<64xi32, #tpu.memory_space<vmem>>
        %dma_start3A_327 = arith.constant 0 : i32
        %dma_start3A_328 = arith.constant 0 : i32
        %dma_start3A_329 = tpu.memref_slice %arg2[%dma_start3A_327, %dma_start3A_328] : memref<10000x128xf32, #tpu.memory_space<hbm>> -> memref<10000x128xf32, #tpu.memory_space<hbm>>
        tpu.enqueue_indirect_dma source(%dma_start3A_329 : memref<10000x128xf32, #tpu.memory_space<hbm>>) target(%arg15 : memref<64x128xf32, #tpu.memory_space<vmem>>) offsets(%dma_start3A_326 : memref<64xi32, #tpu.memory_space<vmem>>) semaphore(%arg21 : memref<!tpu.dma_semaphore, #tpu.memory_space<semaphore_mem>>)
      } else {
      }
    }
    %scan3A_187 = arith.constant 28 : i32
    %dma_wait3A_188 = arith.constant 0 : i32
    %dma_wait3A_189 = arith.constant 0 : i32
    %dma_wait3A_190 = tpu.memref_slice %arg18[%dma_wait3A_188, %dma_wait3A_189] : memref<10240x128xf32, #tpu.memory_space<vmem_shared>> -> memref<10240x128xf32, #tpu.memory_space<vmem_shared>>
    tpu.wait_indirect_dma semaphore(%arg23 : memref<!tpu.dma_semaphore, #tpu.memory_space<semaphore_mem>>) src(%arg14 : memref<64x128xf32, #tpu.memory_space<vmem>>) dst(%dma_wait3A_190 : memref<10240x128xf32, #tpu.memory_space<vmem_shared>>)
    %dma_wait3A_191 = arith.constant 0 : i32
    %dma_wait3A_192 = tpu.memref_slice %arg19[%dma_wait3A_191] : memref<10240xf32, #tpu.memory_space<vmem_shared>> -> memref<10240xf32, #tpu.memory_space<vmem_shared>>
    tpu.wait_indirect_dma semaphore(%arg26 : memref<!tpu.dma_semaphore, #tpu.memory_space<semaphore_mem>>) src(%arg17 : memref<64xf32, #tpu.memory_space<vmem>>) dst(%dma_wait3A_192 : memref<10240xf32, #tpu.memory_space<vmem_shared>>)
    %dma_wait3A_193 = arith.constant 0 : i32
    %dma_wait3A_194 = arith.constant 0 : i32
    %dma_wait3A_195 = tpu.memref_slice %arg18[%dma_wait3A_193, %dma_wait3A_194] : memref<10240x128xf32, #tpu.memory_space<vmem_shared>> -> memref<10240x128xf32, #tpu.memory_space<vmem_shared>>
    tpu.wait_indirect_dma semaphore(%arg24 : memref<!tpu.dma_semaphore, #tpu.memory_space<semaphore_mem>>) src(%arg15 : memref<64x128xf32, #tpu.memory_space<vmem>>) dst(%dma_wait3A_195 : memref<10240x128xf32, #tpu.memory_space<vmem_shared>>)
    %dma_wait3A_196 = arith.constant 0 : i32
    %dma_wait3A_197 = tpu.memref_slice %arg19[%dma_wait3A_196] : memref<10240xf32, #tpu.memory_space<vmem_shared>> -> memref<10240xf32, #tpu.memory_space<vmem_shared>>
    tpu.wait_indirect_dma semaphore(%arg27 : memref<!tpu.dma_semaphore, #tpu.memory_space<semaphore_mem>>) src(%arg17 : memref<64xf32, #tpu.memory_space<vmem>>) dst(%dma_wait3A_197 : memref<10240xf32, #tpu.memory_space<vmem_shared>>)
    %dma_wait3A_198 = arith.constant 0 : i32
    %dma_wait3A_199 = arith.constant 0 : i32
    %dma_wait3A_200 = tpu.memref_slice %arg18[%dma_wait3A_198, %dma_wait3A_199] : memref<10240x128xf32, #tpu.memory_space<vmem_shared>> -> memref<10240x128xf32, #tpu.memory_space<vmem_shared>>
    tpu.wait_indirect_dma semaphore(%arg25 : memref<!tpu.dma_semaphore, #tpu.memory_space<semaphore_mem>>) src(%arg16 : memref<64x128xf32, #tpu.memory_space<vmem>>) dst(%dma_wait3A_200 : memref<10240x128xf32, #tpu.memory_space<vmem_shared>>)
    %dma_wait3A_201 = arith.constant 0 : i32
    %dma_wait3A_202 = tpu.memref_slice %arg19[%dma_wait3A_201] : memref<10240xf32, #tpu.memory_space<vmem_shared>> -> memref<10240xf32, #tpu.memory_space<vmem_shared>>
    tpu.wait_indirect_dma semaphore(%arg28 : memref<!tpu.dma_semaphore, #tpu.memory_space<semaphore_mem>>) src(%arg17 : memref<64xf32, #tpu.memory_space<vmem>>) dst(%dma_wait3A_202 : memref<10240xf32, #tpu.memory_space<vmem_shared>>)
    %barrier3A_203 = arith.constant 0 : index
    tpu.barrier barrier_id(%barrier3A_203)
    %mul3A_204 = arith.constant 640 : i32
    %mul3A_205 = arith.muli %arg1, %mul3A_204 : i32
    %mul3A_206 = arith.constant 640 : i32
    %mul3A_207 = arith.muli %arg1, %mul3A_206 : i32
    "tpu.region"() ({
      %run_scoped3A = tpu.sem_alloc : memref<!tpu.dma_semaphore, #tpu.memory_space<semaphore_mem>>
      %dma_start3A_212 = arith.constant 0 : i32
      %dma_start3A_213 = arith.constant 0 : i32
      %dma_start3A_214 = tpu.memref_slice %arg7[%arg0, %dma_start3A_212, %dma_start3A_213] : memref<2x10240x128xf32, #tpu.memory_space<hbm>> -> memref<1x10240x128xf32, #tpu.memory_space<hbm>>
      %dma_start3A_215 = tpu.memref_squeeze %dma_start3A_214 : memref<1x10240x128xf32, #tpu.memory_space<hbm>> -> memref<10240x128xf32, #tpu.memory_space<hbm>>
      %dma_start3A_216 = arith.constant 0 : i32
      %dma_start3A_217 = tpu.memref_slice %dma_start3A_215[%mul3A_207, %dma_start3A_216] : memref<10240x128xf32, #tpu.memory_space<hbm>> -> memref<640x128xf32, #tpu.memory_space<hbm>>
      %dma_start3A_218 = arith.constant 0 : i32
      %dma_start3A_219 = tpu.memref_slice %arg18[%mul3A_205, %dma_start3A_218] : memref<10240x128xf32, #tpu.memory_space<vmem_shared>> -> memref<640x128xf32, #tpu.memory_space<vmem_shared>>
      tpu.enqueue_dma source(%dma_start3A_219 : memref<640x128xf32, #tpu.memory_space<vmem_shared>>) target(%dma_start3A_217 : memref<640x128xf32, #tpu.memory_space<hbm>>) target_semaphore(%run_scoped3A : memref<!tpu.dma_semaphore, #tpu.memory_space<semaphore_mem>>)
      %dma_wait3A_220 = arith.constant 0 : i32
      %dma_wait3A_221 = arith.constant 0 : i32
      %dma_wait3A_222 = tpu.memref_slice %arg7[%arg0, %dma_wait3A_220, %dma_wait3A_221] : memref<2x10240x128xf32, #tpu.memory_space<hbm>> -> memref<1x10240x128xf32, #tpu.memory_space<hbm>>
      %dma_wait3A_223 = tpu.memref_squeeze %dma_wait3A_222 : memref<1x10240x128xf32, #tpu.memory_space<hbm>> -> memref<10240x128xf32, #tpu.memory_space<hbm>>
      %dma_wait3A_224 = arith.constant 0 : i32
      %dma_wait3A_225 = tpu.memref_slice %dma_wait3A_223[%mul3A_207, %dma_wait3A_224] : memref<10240x128xf32, #tpu.memory_space<hbm>> -> memref<640x128xf32, #tpu.memory_space<hbm>>
      %dma_wait3A_226 = arith.constant 0 : i32
      %dma_wait3A_227 = tpu.memref_slice %arg18[%mul3A_205, %dma_wait3A_226] : memref<10240x128xf32, #tpu.memory_space<vmem_shared>> -> memref<640x128xf32, #tpu.memory_space<vmem_shared>>
      tpu.wait_dma2 semaphore(%run_scoped3A : memref<!tpu.dma_semaphore, #tpu.memory_space<semaphore_mem>>) src(%dma_wait3A_227 : memref<640x128xf32, #tpu.memory_space<vmem_shared>>) dst(%dma_wait3A_225 : memref<640x128xf32, #tpu.memory_space<hbm>>)
      tpu.yield
    }) : () -> ()
    %mul3A_208 = arith.constant 640 : i32
    %mul3A_209 = arith.muli %arg1, %mul3A_208 : i32
    %mul3A_210 = arith.constant 640 : i32
    %mul3A_211 = arith.muli %arg1, %mul3A_210 : i32
    "tpu.region"() ({
      %run_scoped3A = tpu.sem_alloc : memref<!tpu.dma_semaphore, #tpu.memory_space<semaphore_mem>>
      %dma_start3A_212 = arith.constant 0 : i32
      %dma_start3A_213 = tpu.memref_slice %arg8[%arg0, %dma_start3A_212] : memref<2x10240xf32, #tpu.memory_space<hbm>> -> memref<1x10240xf32, #tpu.memory_space<hbm>>
      %dma_start3A_214 = tpu.memref_squeeze %dma_start3A_213 : memref<1x10240xf32, #tpu.memory_space<hbm>> -> memref<10240xf32, #tpu.memory_space<hbm>>
      %dma_start3A_215 = tpu.memref_slice %dma_start3A_214[%mul3A_211] : memref<10240xf32, #tpu.memory_space<hbm>> -> memref<640xf32, #tpu.memory_space<hbm>>
      %dma_start3A_216 = tpu.memref_slice %arg19[%mul3A_209] : memref<10240xf32, #tpu.memory_space<vmem_shared>> -> memref<640xf32, #tpu.memory_space<vmem_shared>>
      tpu.enqueue_dma source(%dma_start3A_216 : memref<640xf32, #tpu.memory_space<vmem_shared>>) target(%dma_start3A_215 : memref<640xf32, #tpu.memory_space<hbm>>) target_semaphore(%run_scoped3A : memref<!tpu.dma_semaphore, #tpu.memory_space<semaphore_mem>>)
      %dma_wait3A_217 = arith.constant 0 : i32
      %dma_wait3A_218 = tpu.memref_slice %arg8[%arg0, %dma_wait3A_217] : memref<2x10240xf32, #tpu.memory_space<hbm>> -> memref<1x10240xf32, #tpu.memory_space<hbm>>
      %dma_wait3A_219 = tpu.memref_squeeze %dma_wait3A_218 : memref<1x10240xf32, #tpu.memory_space<hbm>> -> memref<10240xf32, #tpu.memory_space<hbm>>
      %dma_wait3A_220 = tpu.memref_slice %dma_wait3A_219[%mul3A_211] : memref<10240xf32, #tpu.memory_space<hbm>> -> memref<640xf32, #tpu.memory_space<hbm>>
      %dma_wait3A_221 = tpu.memref_slice %arg19[%mul3A_209] : memref<10240xf32, #tpu.memory_space<vmem_shared>> -> memref<640xf32, #tpu.memory_space<vmem_shared>>
      tpu.wait_dma2 semaphore(%run_scoped3A : memref<!tpu.dma_semaphore, #tpu.memory_space<semaphore_mem>>) src(%dma_wait3A_221 : memref<640xf32, #tpu.memory_space<vmem_shared>>) dst(%dma_wait3A_220 : memref<640xf32, #tpu.memory_space<hbm>>)
      tpu.yield
    }) : () -> ()
    return
  }
}

module attributes {stable_mosaic.version = 14 : i64} {
  func.func @_mlp_body(%arg0: i32, %arg1: memref<1x1024x128xf32, #tpu.memory_space<vmem>>, %arg2: memref<1x1024x128xf32, #tpu.memory_space<vmem>>, %arg3: memref<2x1024xf32, #tpu.memory_space<vmem>>, %arg4: memref<128x256xf32, #tpu.memory_space<vmem>>, %arg5: memref<1x256xf32, #tpu.memory_space<vmem>>, %arg6: memref<256x256xf32, #tpu.memory_space<vmem>>, %arg7: memref<1x256xf32, #tpu.memory_space<vmem>>, %arg8: memref<1024x256xf32, #tpu.memory_space<vmem>>) attributes {dimension_semantics = [#tpu.dimension_semantics<arbitrary>], iteration_bounds = array<i64: 10>, scalar_prefetch = 0 : i64, scratch_operands = 0 : i64, tpu.core_type = #tpu.core_type<tc>, window_params = [{transform_indices = @transform_0, window_bounds = array<i64: 1, 1024, 128>}, {transform_indices = @transform_1, window_bounds = array<i64: 1, 1024, 128>}, {transform_indices = @transform_2, window_bounds = array<i64: 2, 1024>}, {pipeline_mode = #tpu.pipeline_mode<synchronous>, transform_indices = @transform_3, window_bounds = array<i64: 128, 256>}, {pipeline_mode = #tpu.pipeline_mode<synchronous>, transform_indices = @transform_4, window_bounds = array<i64: 1, 256>}, {pipeline_mode = #tpu.pipeline_mode<synchronous>, transform_indices = @transform_5, window_bounds = array<i64: 256, 256>}, {pipeline_mode = #tpu.pipeline_mode<synchronous>, transform_indices = @transform_6, window_bounds = array<i64: 1, 256>}, {transform_indices = @transform_7, window_bounds = array<i64: 1024, 256>}]} {
    %get3A = arith.constant 0 : index
    %get3A_0 = arith.constant 0 : index
    %get3A_1 = arith.constant 0 : index
    %get3A_2 = vector.load %arg1[%get3A, %get3A_0, %get3A_1] : memref<1x1024x128xf32, #tpu.memory_space<vmem>>, vector<1x1024x128xf32>
    %get3A_3 = vector.shape_cast %get3A_2 : vector<1x1024x128xf32> to vector<1024x128xf32>
    %get3A_4 = arith.constant 0 : index
    %get3A_5 = arith.constant 0 : index
    %get3A_6 = arith.constant 0 : index
    %get3A_7 = vector.load %arg2[%get3A_4, %get3A_5, %get3A_6] : memref<1x1024x128xf32, #tpu.memory_space<vmem>>, vector<1x1024x128xf32>
    %get3A_8 = vector.shape_cast %get3A_7 : vector<1x1024x128xf32> to vector<1024x128xf32>
    %add3A = arith.addf %get3A_3, %get3A_8 : vector<1024x128xf32>
    %get3A_9 = arith.constant 0 : index
    %get3A_10 = arith.constant 0 : index
    %get3A_11 = vector.load %arg3[%get3A_9, %get3A_10] : memref<2x1024xf32, #tpu.memory_space<vmem>>, vector<1x1024xf32>
    %get3A_12 = arith.constant 1 : index
    %get3A_13 = arith.constant 0 : index
    %get3A_14 = vector.load %arg3[%get3A_12, %get3A_13] : memref<2x1024xf32, #tpu.memory_space<vmem>>, vector<1x1024xf32>
    %add3A_15 = arith.addf %get3A_11, %get3A_14 : vector<1x1024xf32>
    %reshape3A = vector.shape_cast %add3A_15 : vector<1x1024xf32> to vector<1024x1xf32>
    %max3A = arith.constant 1.000000e+00 : f32
    %max3A_16 = vector.broadcast %max3A : f32 to vector<1024x1xf32>
    %max3A_17 = arith.maximumf %reshape3A, %max3A_16 : vector<1024x1xf32>
    %div3A = vector.broadcast %max3A_17 : vector<1024x1xf32> to vector<1024x128xf32>
    %div3A_18 = arith.divf %add3A, %div3A : vector<1024x128xf32>
    %get3A_19 = arith.constant 0 : index
    %get3A_20 = arith.constant 0 : index
    %get3A_21 = vector.load %arg4[%get3A_19, %get3A_20] : memref<128x256xf32, #tpu.memory_space<vmem>>, vector<128x256xf32>
    %dot_general3A = arith.constant dense<0.000000e+00> : vector<1024x256xf32>
    %dot_general3A_22 = tpu.matmul %div3A_18, %get3A_21, %dot_general3A {dimension_numbers = #tpu.dot_dimension_numbers<[1], [0], [0], [1], [0, 0, 1, 1], [], []>, transpose_lhs_hint = false} : vector<1024x128xf32>, vector<128x256xf32>, vector<1024x256xf32> -> vector<1024x256xf32>
    %get3A_23 = arith.constant 0 : index
    %get3A_24 = arith.constant 0 : index
    %get3A_25 = vector.load %arg5[%get3A_23, %get3A_24] : memref<1x256xf32, #tpu.memory_space<vmem>>, vector<1x256xf32>
    %add3A_26 = vector.broadcast %get3A_25 : vector<1x256xf32> to vector<1024x256xf32>
    %add3A_27 = arith.addf %dot_general3A_22, %add3A_26 : vector<1024x256xf32>
    %max3A_28 = arith.constant 0.000000e+00 : f32
    %max3A_29 = vector.broadcast %max3A_28 : f32 to vector<1024x256xf32>
    %max3A_30 = arith.maximumf %add3A_27, %max3A_29 : vector<1024x256xf32>
    %get3A_31 = arith.constant 0 : index
    %get3A_32 = arith.constant 0 : index
    %get3A_33 = vector.load %arg6[%get3A_31, %get3A_32] : memref<256x256xf32, #tpu.memory_space<vmem>>, vector<256x256xf32>
    %dot_general3A_34 = arith.constant dense<0.000000e+00> : vector<1024x256xf32>
    %dot_general3A_35 = tpu.matmul %max3A_30, %get3A_33, %dot_general3A_34 {dimension_numbers = #tpu.dot_dimension_numbers<[1], [0], [0], [1], [0, 0, 1, 1], [], []>, transpose_lhs_hint = false} : vector<1024x256xf32>, vector<256x256xf32>, vector<1024x256xf32> -> vector<1024x256xf32>
    %get3A_36 = arith.constant 0 : index
    %get3A_37 = arith.constant 0 : index
    %get3A_38 = vector.load %arg7[%get3A_36, %get3A_37] : memref<1x256xf32, #tpu.memory_space<vmem>>, vector<1x256xf32>
    %add3A_39 = vector.broadcast %get3A_38 : vector<1x256xf32> to vector<1024x256xf32>
    %add3A_40 = arith.addf %dot_general3A_35, %add3A_39 : vector<1024x256xf32>
    %swap3A = arith.constant 0 : index
    %swap3A_41 = arith.constant 0 : index
    %swap3A_42 = vector.load %arg8[%swap3A, %swap3A_41] : memref<1024x256xf32, #tpu.memory_space<vmem>>, vector<1024x256xf32>
    tpu.vector_store %arg8[%swap3A, %swap3A_41], %add3A_40 {strides = array<i32>} : memref<1024x256xf32, #tpu.memory_space<vmem>>, vector<1024x256xf32>,
    return
  }
  func.func @transform_0(%arg0: i32) -> (i32, i32, i32) {
    %c0_i32 = arith.constant 0 : i32
    %c0_i32_0 = arith.constant 0 : i32
    %c0_i32_1 = arith.constant 0 : i32
    return %c0_i32, %arg0, %c0_i32_0 : i32, i32, i32
  }
  func.func @transform_1(%arg0: i32) -> (i32, i32, i32) {
    %c1_i32 = arith.constant 1 : i32
    %c0_i32 = arith.constant 0 : i32
    %c0_i32_0 = arith.constant 0 : i32
    return %c1_i32, %arg0, %c0_i32 : i32, i32, i32
  }
  func.func @transform_2(%arg0: i32) -> (i32, i32) {
    %c0_i32 = arith.constant 0 : i32
    %c0_i32_0 = arith.constant 0 : i32
    return %c0_i32, %arg0 : i32, i32
  }
  func.func @transform_3(%arg0: i32) -> (i32, i32) {
    %c0_i32 = arith.constant 0 : i32
    %c0_i32_0 = arith.constant 0 : i32
    %c0_i32_1 = arith.constant 0 : i32
    return %c0_i32, %c0_i32_0 : i32, i32
  }
  func.func @transform_4(%arg0: i32) -> (i32, i32) {
    %c0_i32 = arith.constant 0 : i32
    %c0_i32_0 = arith.constant 0 : i32
    %c0_i32_1 = arith.constant 0 : i32
    return %c0_i32, %c0_i32_0 : i32, i32
  }
  func.func @transform_5(%arg0: i32) -> (i32, i32) {
    %c0_i32 = arith.constant 0 : i32
    %c0_i32_0 = arith.constant 0 : i32
    %c0_i32_1 = arith.constant 0 : i32
    return %c0_i32, %c0_i32_0 : i32, i32
  }
  func.func @transform_6(%arg0: i32) -> (i32, i32) {
    %c0_i32 = arith.constant 0 : i32
    %c0_i32_0 = arith.constant 0 : i32
    %c0_i32_1 = arith.constant 0 : i32
    return %c0_i32, %c0_i32_0 : i32, i32
  }
  func.func @transform_7(%arg0: i32) -> (i32, i32) {
    %c0_i32 = arith.constant 0 : i32
    %c0_i32_0 = arith.constant 0 : i32
    return %arg0, %c0_i32 : i32, i32
  }
}

module attributes {stable_mosaic.version = 14 : i64} {
  func.func @_prep_body(%arg0: i32, %arg1: memref<2x24576xi32, #tpu.memory_space<vmem>>, %arg2: memref<24576xi32, #tpu.memory_space<vmem>>, %arg3: memref<24576xi32, #tpu.memory_space<vmem>>) attributes {dimension_semantics = [#tpu.dimension_semantics<arbitrary>], iteration_bounds = array<i64: 14>, scalar_prefetch = 0 : i64, scratch_operands = 0 : i64, tpu.core_type = #tpu.core_type<tc>, window_params = [{transform_indices = @transform_0, window_bounds = array<i64: 2, 24576>}, {transform_indices = @transform_1, window_bounds = array<i64: 24576>}, {transform_indices = @transform_2, window_bounds = array<i64: 24576>}]} {
    %mul3A = arith.constant 24576 : i32
    %mul3A_0 = arith.muli %arg0, %mul3A : i32
    %iota3A = tpu.iota {dimensions = array<i32: 1>} : vector<1x24576xi32>
    %add3A = vector.broadcast %mul3A_0 : i32 to vector<1x24576xi32>
    %add3A_1 = arith.addi %add3A, %iota3A : vector<1x24576xi32>
    %lt3A = arith.constant 320000 : i32
    %lt3A_2 = vector.broadcast %lt3A : i32 to vector<1x24576xi32>
    %lt3A_3 = arith.cmpi slt, %add3A_1, %lt3A_2 : vector<1x24576xi32>
    %get3A = arith.constant 0 : index
    %get3A_4 = arith.constant 0 : index
    %get3A_5 = vector.load %arg1[%get3A, %get3A_4] : memref<2x24576xi32, #tpu.memory_space<vmem>>, vector<1x24576xi32>
    %and3A = arith.constant 8191 : i32
    %and3A_6 = vector.broadcast %and3A : i32 to vector<1x24576xi32>
    %and3A_7 = arith.andi %add3A_1, %and3A_6 : vector<1x24576xi32>
    %select_n3A = arith.select %lt3A_3, %get3A_5, %and3A_7 : vector<1x24576xi1>, vector<1x24576xi32>
    %get3A_8 = arith.constant 1 : index
    %get3A_9 = arith.constant 0 : index
    %get3A_10 = vector.load %arg1[%get3A_8, %get3A_9] : memref<2x24576xi32, #tpu.memory_space<vmem>>, vector<1x24576xi32>
    %and3A_11 = arith.constant 127 : i32
    %and3A_12 = vector.broadcast %and3A_11 : i32 to vector<1x24576xi32>
    %and3A_13 = arith.andi %add3A_1, %and3A_12 : vector<1x24576xi32>
    %add3A_14 = arith.constant 10000 : i32
    %add3A_15 = vector.broadcast %add3A_14 : i32 to vector<1x24576xi32>
    %add3A_16 = arith.addi %add3A_15, %and3A_13 : vector<1x24576xi32>
    %select_n3A_17 = arith.select %lt3A_3, %get3A_10, %add3A_16 : vector<1x24576xi1>, vector<1x24576xi32>
    %reshape3A = vector.shape_cast %select_n3A : vector<1x24576xi32> to vector<24576xi32>
    %swap3A = arith.constant 0 : index
    %swap3A_18 = vector.load %arg2[%swap3A] : memref<24576xi32, #tpu.memory_space<vmem>>, vector<24576xi32>
    tpu.vector_store %arg2[%swap3A], %reshape3A {strides = array<i32>} : memref<24576xi32, #tpu.memory_space<vmem>>, vector<24576xi32>,
    %reshape3A_19 = vector.shape_cast %select_n3A_17 : vector<1x24576xi32> to vector<24576xi32>
    %swap3A_20 = arith.constant 0 : index
    %swap3A_21 = vector.load %arg3[%swap3A_20] : memref<24576xi32, #tpu.memory_space<vmem>>, vector<24576xi32>
    tpu.vector_store %arg3[%swap3A_20], %reshape3A_19 {strides = array<i32>} : memref<24576xi32, #tpu.memory_space<vmem>>, vector<24576xi32>,
    return
  }
  func.func @transform_0(%arg0: i32) -> (i32, i32) {
    %min3A = arith.constant 13 : i32
    %min3A_0 = arith.minsi %arg0, %min3A : i32
    %c0_i32 = arith.constant 0 : i32
    %c0_i32_1 = arith.constant 0 : i32
    return %c0_i32, %min3A_0 : i32, i32
  }
  func.func @transform_1(%arg0: i32) -> i32 {
    %c0_i32 = arith.constant 0 : i32
    return %arg0 : i32
  }
  func.func @transform_2(%arg0: i32) -> i32 {
    %c0_i32 = arith.constant 0 : i32
    return %arg0 : i32
  }
}

</mosaic_0001>

<sc_bundles>
// kernel: kernel.5.cloned.1.call-start
scs
__scs_entry_jumppad:
0x0: {  	(pc) =	sbr.rel $0x88, $3  }
0x1: {  	(tag) =	ssettag $0x0;
	lr =	simm.s32 $0x1  }
0x2: {  	[smem:$0x3F9B] =	sst lr;
	_ =	strace $0xD0000000  }
0x3: {  	_ = 	snop  }
0x4: {  	_ = 	snop  }
0x5: {  	_ = 	snop  }
0x6: {  	_ = 	snop  }
0x7: {  	_ = 	snop  }
__scs_overlays_trampoline_lowered:
0x8: {  	[smem:$0x3FAA] =	sst s0  }
0x9: {  	[smem:$0x3FAB] =	sst s1  }
0xa: {  	[smem:$0x3FAC] =	sst s2  }
0xb: {  	[smem:$0x3FAD] =	sst s3  }
0xc: {  	[smem:$0x3FAE] =	sst s4  }
0xd: {  	[smem:$0x3FAF] =	sst s5  }
0xe: {  	[smem:$0x3FB0] =	sst s6  }
0xf: {  	[smem:$0x3FB1] =	sst s7  }
0x10: {  	[smem:$0x3FB2] =	sst s8  }
0x11: {  	[smem:$0x3FB3] =	sst s9;
	s0 =	simm.s32 @!p0 $0x0  }
0x12: {  	s1 =	sld [smem:$0x3F99];
	s0 =	simm.s32 @p0 $0x1  }
0x13: {  	[smem:$0x3FB4] =	sst s0;
	s0 =	simm.s32 @!p1 $0x0  }
0x14: {  	s2 =	sld [smem:$0x3F98];
	s0 =	simm.s32 @p1 $0x1  }
0x15: {  	[smem:$0x3FB5] =	sst s0;
	s0 =	simm.s32 @!p2 $0x0  }
0x16: {  	s3 =	sld [smem:$0x3FDB];
	s0 =	simm.s32 @p2 $0x1  }
0x17: {  	s4 =	simm.s32 $0x1BF5;
	[smem:$0x3FB7] =	sst s0  }
0x18: {  	s0 =	sld [smem:$0x3F9A];
	_ =	swait.ge [sflag:s4], $0x0  }
0x19: {  	s7 =	sld [smem:$0x3F9B]  }
0x1a: {  	s8 =	sadd.s32 $0xFFFFE003, lr  }
0x1b: {  	s9 =	sadd.s32 $0xFFFFFEF7, lr;
	s5 =	simm.s32 $0xFFFFFFFF;
	p2 =	slt.u32 s8, $0xFFFFF086  }
0x1c: {  	p1 =	slt.u32 s9, $0xF7A;
	s5 =	simm.s32 @!p2 $0x0  }
0x1d: {  	s5 =	simm.s32 @p1 $0x1;
	p0 =	seq.s32 s7, s2  }
0x1e: {  	s7 =	smul.u32 @!p0 $0xF7A, s2;
	p2 =	seq.s32 @!p0 s5, $0x0  }
0x1f: {  	s9 =	smul.u32 $0xF7A, s1;
	s8 =	simm.s32 @!p0 $0x1BF5;
	p2 =	por !p2, p0  }
0x20: {  	[sflag:s8] =	ssyncset.s32 @!p0 $0xFFFFF086;
	s6 =	sadd.s32 @!p0 s3, s7;
	s7 =	simm.s32 @!p0 $0x108  }
0x21: {  	s3 =	sadd.s32 s3, s9;
	s6 =	sadd.s32 @!p0 $0x88, s6;
	s7 =	simm.s32 @p2 $0x1082  }
0x22: {  	[simem:s7], [sflag:s8] =	dma.local @!p0 [hbm:s6], $0xF7A  }
0x23: {  	s9 =	sor.u32 $0xD0000000, s2;
	s6 =	simm.s32 $0x108;
	_ =	swait.ge @!p0 [sflag:s8], $0x0  }
0x24: {  	s3 =	sadd.s32 $0x88, s3;
	s6 =	simm.s32 @!p1 $0x1082;
	[sflag:s4] =	ssyncset.s32 $0xFFFFF086  }
0x25: {  	[simem:s6], [sflag:s4] =	dma.local [hbm:s3], $0xF7A  }
0x26: {  	[smem:$0x3F9B] =	sst s1;
	(tag) =	ssettag s2;
	_ =	strace s9  }
0x27: {  	s1 =	sld [smem:$0x3FAB]  }
0x28: {  	s2 =	sld [smem:$0x3FAC]  }
0x29: {  	s4 =	sld [smem:$0x3FAE]  }
0x2a: {  	p0 =	seq.s32 s5, $0x0;
	s5 =	sld [smem:$0x3FAF]  }
0x2b: {  	s6 =	sld [smem:$0x3FB0]  }
0x2c: {  	s7 =	sld [smem:$0x3FB1]  }
0x2d: {  	s3 =	simm.s32 $0x108;
	s8 =	sld [smem:$0x3FB2]  }
0x2e: {  	s3 =	simm.s32 @!p0 $0x1082;
	s9 =	sld [smem:$0x3FB3]  }
0x2f: {  	lr =	sadd.s32 s0, s3;
	s0 =	sld [smem:$0x3FAA]  }
0x30: {  	s3 =	sld [smem:$0x3FAD]  }
0x31: {  	[smem:$0x3FB6] =	sst s10  }
0x32: {  	s10 =	sld [smem:$0x3FB4];
	_ =	sdelay $0x3  }
0x33: {  	p0 =	seq.s32 s10, $0x1;
	s10 =	sld [smem:$0x3FB6];
	_ =	sdelay $0x3  }
0x34: {  	[smem:$0x3FB6] =	sst s10  }
0x35: {  	s10 =	sld [smem:$0x3FB5];
	_ =	sdelay $0x3  }
0x36: {  	p1 =	seq.s32 s10, $0x1;
	s10 =	sld [smem:$0x3FB6];
	_ =	sdelay $0x3  }
0x37: {  	[smem:$0x3FB6] =	sst s10  }
0x38: {  	s10 =	sld [smem:$0x3FB7]  }
0x39: {  	_ = 	snop;
	(pc) =	sbr.ind lr, $3  }
0x3a: {  	_ = 	snop  }
0x3b: {  	_ = 	snop  }
0x3c: {  	p2 =	seq.s32 s10, $0x1;
	s10 =	sld [smem:$0x3FB6]  }
0x3d: {  	_ =	shalt  }
0x3e: {  	_ =	shalt  }
0x3f: {  	_ =	shalt  }
0x40: {  	_ =	shalt  }
0x41: {  	_ =	shalt  }
0x42: {  	_ =	shalt  }
0x43: {  	_ =	shalt  }
0x44: {  	_ =	shalt  }
0x45: {  	_ =	shalt  }
0x46: {  	_ =	shalt  }
0x47: {  	_ =	shalt  }
0x48: {  	_ =	shalt  }
0x49: {  	_ =	shalt  }
0x4a: {  	_ =	shalt  }
0x4b: {  	_ =	shalt  }
0x4c: {  	_ =	shalt  }
0x4d: {  	_ =	shalt  }
0x4e: {  	_ =	shalt  }
0x4f: {  	_ =	shalt  }
0x50: {  	_ =	shalt  }
0x51: {  	_ =	shalt  }
0x52: {  	_ =	shalt  }
0x53: {  	_ =	shalt  }
0x54: {  	_ =	shalt  }
0x55: {  	_ =	shalt  }
0x56: {  	_ =	shalt  }
0x57: {  	_ =	shalt  }
0x58: {  	_ =	shalt  }
0x59: {  	_ =	shalt  }
0x5a: {  	_ =	shalt  }
0x5b: {  	_ =	shalt  }
0x5c: {  	_ =	shalt  }
0x5d: {  	_ =	shalt  }
0x5e: {  	_ =	shalt  }
0x5f: {  	_ =	shalt  }
0x60: {  	_ =	shalt  }
0x61: {  	_ =	shalt  }
0x62: {  	_ =	shalt  }
0x63: {  	_ =	shalt  }
0x64: {  	_ =	shalt  }
0x65: {  	_ =	shalt  }
0x66: {  	_ =	shalt  }
0x67: {  	_ =	shalt  }
0x68: {  	_ =	shalt  }
0x69: {  	_ =	shalt  }
0x6a: {  	_ =	shalt  }
0x6b: {  	_ =	shalt  }
0x6c: {  	_ =	shalt  }
0x6d: {  	_ =	shalt  }
0x6e: {  	_ =	shalt  }
0x6f: {  	_ =	shalt  }
0x70: {  	_ =	shalt  }
0x71: {  	_ =	shalt  }
0x72: {  	_ =	shalt  }
0x73: {  	_ =	shalt  }
0x74: {  	_ =	shalt  }
0x75: {  	_ =	shalt  }
0x76: {  	_ =	shalt  }
0x77: {  	_ =	shalt  }
0x78: {  	_ =	shalt  }
0x79: {  	_ =	shalt  }
0x7a: {  	_ =	shalt  }
0x7b: {  	_ =	shalt  }
0x7c: {  	_ =	shalt  }
0x7d: {  	_ =	shalt  }
0x7e: {  	_ =	shalt  }
0x7f: {  	_ =	shalt  }
0x80: {  	_ =	shalt  }
0x81: {  	_ =	shalt  }
0x82: {  	_ =	shalt  }
0x83: {  	_ =	shalt  }
0x84: {  	_ =	shalt  }
0x85: {  	_ =	shalt  }
0x86: {  	_ =	shalt  }
0x87: {  	_ =	shalt  }
.Lfunc_end0:
.L_simem_size_0:
called_computation_lowered:
.L_overlay_start_0:
0x88: {  	s2 =	sld [smem:$0x3FD9]  }
0x89: {  	s3 =	sld [smem:$0x3FFE];
	_ =	sdelay $0x1  }
0x8a: {  	s1 =	srdreg.scid  }
0x8b: {  	s0 =	sand.u32 $0x1, s1  }
0x8c: {  	s17 =	sshll.u32 s0, $0xA;
	s2 =	sadd.s32 s3, s2  }
0x8d: {  	s2 =	sadd.s32 s2, s17  }
0x8e: {  	[smem:$0x3FC2] =	sst s2  }
0x8f: {  	_ = 	snop  }
0x90: {  	s2 =	sld [smem:$0x3FC9]  }
0x91: {  	s18 =	sld [smem:$0x3FD0];
	(tm) =	ssettm $0x1  }
0x92: {  	s4 =	sld [smem:$0x3FFB];
	_ =	sdelay $0x3  }
0x93: {  	_ =	strace s4  }
0x94: {  	s4 =	sld [smem:$0x3FFC];
	_ =	sdelay $0x3  }
0x95: {  	_ =	strace s4  }
0x96: {  	s4 =	sld [smem:$0x3FFD];
	_ =	sdelay $0x3  }
0x97: {  	_ =	strace s4  }
0x98: {  	_ =	strace $0x8FFFFFFF  }
0x99: {  	s19 =	sld [smem:$0x3FDB];
	_ =	sdelay $0x1  }
0x9a: {  	s5 =	simm.s32 $_scs_section_size  }
0x9b: {  	s6 =	simm.s32 $_size__tile_overlayer_lowered;
	s7 =	simm.s32 $_tile_overlayer_lowered  }
0x9c: {  	s22 =	simm.s32 $0x1BFF;
	s21 =	sshll.u32 s7, $0x1;
	s4 =	sadd.s32 s5, s19  }
0x9d: {  	s8 =	simm.s32 $0x0;
	s20 =	sshll.u32 s6, $0x1;
	s6 =	sadd.s32 s21, s4  }
0x9e: {  	[timem:s8], [sflag:s22] =	dma.local [hbm:s6], s20  }
0x9f: {  	_ =	swait.ge [sflag:s22], s20  }
0xa0: {  	s5 =	ssub.s32 $0x0, s20;
	[sflag:s22] =	ssyncset.done $0x0  }
0xa1: {  	[sflag:s22] =	ssyncadd.s32 s5;
	_ =	sdelay $0x1  }
0xa2: {  	s23 =	simm.s32 $0x1B8B  }
0xa3: {  	_ =	swait.ge [sflag:s23], $0x1  }
0xa4: {  	[sflag:s23] =	ssyncset.done $0x0  }
0xa5: {  	s25 =	simm.s32 $0x1B8E;
	s24 =	sld [smem:$0x3FFE];
	[sflag:s23] =	ssyncadd.s32 $0xFFFFFFFF  }
0xa6: {  	s26 =	simm.s32 $execute0_lowered;
	[smem:$0x3FD2] =	sst s25  }
0xa7: {  	s6 =	sshll.u32 s26, $0x1;
	_ =	strace $0x80000046;
	[dreg:$0x1] =	wrdreg $0xFFFFFFFF  }
0xa8: {  	s28 =	simm.s32 $_size_execute0_lowered;
	s4 =	sadd.s32 s4, s6;
	[dreg:$0x0] =	wrdreg $0x0  }
0xa9: {  	s6 =	sshll.u32 s28, $0x1;
	[dreg:$0x2] =	wrdreg s4  }
0xaa: {  	[dreg:$0x3] =	wrdreg s6  }
0xab: {  	[dreg:$0x4] =	wrdreg $0xC0  }
0xac: {  	_ =	task [dreg:s8], $0x5FFFF  }
0xad: {  	[dreg:$0x1] =	wrdreg $0xFFFFFFFF  }
0xae: {  	[dreg:$0x0] =	wrdreg $0x60  }
0xaf: {  	[dreg:$0x2] =	wrdreg s2  }
0xb0: {  	[dreg:$0x3] =	wrdreg s18  }
0xb1: {  	[dreg:$0x4] =	wrdreg s24  }
0xb2: {  	[dreg:$0x5] =	wrdreg $0x8C000  }
0xb3: {  	[dreg:$0x6] =	wrdreg $0x1CC000  }
0xb4: {  	[dreg:$0x7] =	wrdreg $0x9  }
0xb5: {  	_ =	task.clear_ibuf [dreg:s8], $0x8FFFF;
	_ =	strace $0x90000046  }
0xb6: {  	s29 =	simm.s32 $0x9;
	_ =	strace $0x80000048  }
0xb7: {  	_ =	swait.ge [sflag:s29], $0x1  }
0xb8: {  	[sflag:s29] =	ssyncadd.s32 $0xFFFFFFFF  }
0xb9: {  	_ =	strace $0x90000048  }
0xba: {  	_ =	sfence  }
0xbb: {  	s30 =	sld [smem:$0x0];
	_ =	sdelay $0x2  }
0xbc: {  	s31 =	sshll.u32 s1, $0xD;
	s1 =	sshrl.u32 s1, $0x2  }
0xbd: {  	s3 =	sand.u32 $0x4000, s31;
	s1 =	sadd.s32 s1, s30  }
0xbe: {  	s0 =	sor.u32 s3, s0;
	s1 =	sshll.u32 s1, $0x11  }
0xbf: {  	s0 =	sor.u32 s1, s0  }
0xc0: {  	s0 =	sadd.s32 $0x8F2B, s0  }
0xc1: {  	[sflag:s0] =	ssyncadd.remote.s32 $0x1  }
0xc2: {  	_ =	sfence.sel $0xFFFF  }
0xc3: {  	[dreg:$0x0] =	wrdreg $0xFFFFFFFF;
	(pc) =	sbr.abs _section_cstart, $3  }
0xc4: {  	[dreg:$0x1] =	wrdreg $0xFFFFFFFF  }
0xc5: {  	_ =	task.clear_ibuf [dreg:s8], $0x2FFFF;
	_ =	strace $0x9FFFFFFF  }
0xc6: {  	(tm) =	ssettm $0x7FFFFFFF  }
0xc7: {  	_ =	shalt  }
tec
execute0_lowered:
.L_overlay_start_1:
0x0: {  	(tag) =	ssettag $0x1  }
0x1: {  	s1 =	rddreg [dreg:$0x0]  }
0x2: {  	s0 =	rddreg [dreg:$0x1]  }
0x3: {  	s2 =	rddreg [dreg:$0x2]  }
0x4: {  	s3 =	rddreg [dreg:$0x3]  }
0x5: {  	s4 =	rddreg [dreg:$0x4];
	s5 =	simm.s32 $0x0  }
0x6: {  	s16 =	stileid.u32;
	s6 =	srdreg.scid;
	s28 =	simm.s32 $0x2  }
0x7: {  	s29 =	simm.s32 $0x2A80;
	s30 =	simm.s32 $0x3;
	s8 =	smul.u32 $0x280, s16  }
0x8: {  	s31 =	simm.s32 $0x2B00;
	[smem:$0x7FF] =	sst s5;
	s13 =	smul.u32 $0x50000, s16  }
0x9: {  	s6 =	sand.u32 $0x1, s6;
	s9 =	sadd.s32 $0x1C00, s2;
	s23 =	smul.u32 $0x2800, s16  }
0xa: {  	s10 =	sadd.s32 $0xCA00, s2;
	s14 =	sshll.u32 s16, $0x1;
	s25 =	smul.u32 $0xA0, s16  }
0xb: {  	s19 =	sshll.u32 s16, $0x6;
	_ =	strace $0x80000047;
	s7 =	smul.u32 $0x28000, s6  }
0xc: {  	[dreg:$0x6] =	wrdreg s10;
	s17 =	sshll.u32 s6, $0x4;
	s12 =	ssub.s32 $0x2, s6  }
0xd: {  	s6 =	sor.u32 s6, s14;
	s15 =	sshrl.u32 s8, $0x3;
	s18 =	sshrl.u32 s12, $0x1  }
0xe: {  	s13 =	sshrl.u32 s13, $0x2;
	s6 =	smul.u32 $0x2A00, s6;
	s8 =	sadd.s32 s8, s4  }
0xf: {  	s10 =	sadd.s32 s15, s2;
	s11 =	sadd.s32 s7, s2;
	s2 =	sadd.s32 s17, s2  }
0x10: {  	s12 =	ssub.s32 s12, s18;
	s15 =	sadd.s32 s13, s3;
	s7 =	sor.u32 $0x1C0A, s19  }
0x11: {  	s16 =	sshrl.u32 s8, $0x3;
	s18 =	simm.s32 $0x40;
	s19 =	simm.s32 $0x2B80  }
0x12: {  	s8 =	simm.s32 $0x8;
	s10 =	sadd.s32 $0xC400, s10;
	s6 =	sshrl.u32 s6, $0x3  }
0x13: {  	s24 =	sadd.s32 $0xF200, s11;
	s2 =	sadd.s32 $0x5F200, s2;
	s26 =	smax.u32 s12, $0x1  }
0x14: {  	s14 =	sshrl.u32 s15, $0x3;
	s15 =	simm.s32 $0xA;
	[dreg:$0x7] =	wrdreg s10  }
0x15: {  	s11 =	simm.s32 $0x0;
	s20 =	sadd.s32 s0, s6;
	[dreg:$0xc] =	wrdreg s26  }
0x16: {  	s21 =	sadd.s32 s9, s6;
	s6 =	sadd.s32 $0x2A0, s6;
	[dreg:$0x8] =	wrdreg s20  }
0x17: {  	s26 =	simm.s32 $0x6B80;
	s10 =	simm.s32 $0x9;
	[dreg:$0x9] =	wrdreg s21  }
.Ltmp0:
0x18: {  	s0 =	sadd.s32 s0, s6;
	s22 =	sadd.s32 s9, s6;
	(pc) =	sbr.rel .LBB2_1-.Ltmp0, $4  }
0x19: {  	s20 =	simm.s32 $0x4B80;
	s21 =	simm.s32 $0x1;
	[dreg:$0xa] =	wrdreg s0  }
0x1a: {  	s6 =	simm.s32 $0x5;
	s9 =	simm.s32 $0x6;
	[dreg:$0xb] =	wrdreg s22  }
0x1b: {  	s22 =	sadd.s32 s23, s24;
	s23 =	simm.s32 $0x2A00;
	s24 =	sadd.s32 s25, s2  }
0x1c: {  	v0 =	vimm.f32 $1.000000000e+00;
	s25 =	simm.s32 $0x8B80;
	s0 =	simm.s32 $0x4;
	s2 =	simm.s32 $0x7  }
.LBB2_7:
0x1d: {  	_ =	swait.ge [sflag:s30], $0x2000  }
0x1e: {  	[sflag:s30] =	ssyncset.done $0x0  }
0x1f: {  	[sflag:s30] =	ssyncadd.s32 $0xFFFFE000  }
0x20: {  	[spmem:s3] =	stream.indirect.scatter.add.f32 [tilespmem:s26], [sflag:$0x6], $0x80, s31, s18, $0xb8;
	[tilespmem:$0x1CE80] =	vst v63  }
0x21: {  	_ = 	snop  }
0x22: {  	[spmem:s4] =	stream.indirect.scatter.add.f32 [tilespmem:s25], [sflag:$0x9], $0x1, s31, s18, $0xb8;
	[tilespmem:$0x1CE80] =	vst v63  }
0x23: {  	_ =	swait.ge [sflag:s0], $0x2000  }
0x24: {  	[sflag:s0] =	ssyncset.done $0x0  }
0x25: {  	[sflag:s0] =	ssyncadd.s32 $0xFFFFE000  }
0x26: {  	_ =	swait.ge [sflag:s2], $0x40  }
0x27: {  	[sflag:s2] =	ssyncset.done $0x0  }
0x28: {  	[sflag:s2] =	ssyncadd.s32 $0xFFFFFFC0  }
0x29: {  	_ =	swait.ge [sflag:s6], $0x2000  }
0x2a: {  	[sflag:s6] =	ssyncset.done $0x0  }
0x2b: {  	[sflag:s6] =	ssyncadd.s32 $0xFFFFE000  }
0x2c: {  	_ =	swait.ge [sflag:s8], $0x40  }
0x2d: {  	[sflag:s8] =	ssyncset.done $0x0  }
0x2e: {  	[sflag:s8] =	ssyncadd.s32 $0xFFFFFFC0  }
0x2f: {  	_ =	swait.ge [sflag:s9], $0x2000  }
0x30: {  	[sflag:s9] =	ssyncset.done $0x0  }
0x31: {  	[sflag:s9] =	ssyncadd.s32 $0xFFFFE000  }
0x32: {  	_ =	swait.ge [sflag:s10], $0x40  }
0x33: {  	[sflag:s10] =	ssyncset.done $0x0  }
0x34: {  	[sflag:s10] =	ssyncadd.s32 $0xFFFFFFC0  }
0x35: {  	[bflag:$0x0] =	sbarrier.arrive $0xFFFF  }
0x36: {  	[hbm:s22], [sflag:s7] =	dma.local [spmem:s14], $0x2800  }
0x37: {  	_ =	swait.ge [sflag:s15], $0x2800  }
0x38: {  	[sflag:s15] =	ssyncset.done $0x0  }
0x39: {  	s12 =	simm.s32 $0x20;
	s13 =	simm.s32 $0x10;
	[sflag:s15] =	ssyncadd.s32 $0xFFFFD800  }
0x3a: {  	[hbm:s24@s12], [sflag:s7] =	dma.strided [spmem:s16@s13], $0x50, s21, $0x10   }
0x3b: {  	_ =	swait.ge [sflag:s15], $0x50  }
0x3c: {  	s11 =	sadd.s32 $0x1, s11;
	s17 =	rddreg [dreg:$0xc]  }
0x3d: {  	p0 =	sne.s32 s11, s17  }
.Ltmp1:
0x3e: {  	_ = 	snop;
	(pc) =	sbr.rel @!p0 .LBB2_8-.Ltmp1, $3  }
0x3f: {  	_ =	sdelay $0x1  }
0x40: {  	[sflag:s15] =	ssyncset.done $0x0  }
0x41: {  	[sflag:s15] =	ssyncadd.s32 $0xFFFFFFB0  }
.LBB2_1:
0x42: {  	s12 =	rddreg [dreg:$0x6]  }
0x43: {  	[spmem:s14], [sflag:s7] =	dma.local [hbm:s12], $0x2800  }
0x44: {  	_ =	swait.ge [sflag:s15], $0x2800  }
0x45: {  	[sflag:s15] =	ssyncset.done $0x0  }
0x46: {  	s17 =	rddreg [dreg:$0x7];
	[sflag:s15] =	ssyncadd.s32 $0xFFFFD800  }
0x47: {  	[spmem:s16], [sflag:s7] =	dma.local [hbm:s17], $0x50  }
0x48: {  	_ =	swait.ge [sflag:s15], $0x50  }
0x49: {  	[sflag:s15] =	ssyncset.done $0x0  }
0x4a: {  	[sflag:s15] =	ssyncadd.s32 $0xFFFFFFB0  }
0x4b: {  	[tilespmem:$0x8B80] =	vst v0  }
0x4c: {  	[tilespmem:$0x8B90] =	vst v0  }
0x4d: {  	[tilespmem:$0x8BA0] =	vst v0  }
0x4e: {  	[tilespmem:$0x8BB0] =	vst v0  }
0x4f: {  	[bflag:$0x0] =	sbarrier.arrive $0xFFFF  }
0x50: {  	s13 =	rddreg [dreg:$0x8]  }
0x51: {  	[tilespmem:s5], [sflag:$0xA] =	stream.linear.gather [hbm4b:s13+s5], $0x1500, $0x38;
	[tilespmem:$0x1CE80] =	vst v63  }
0x52: {  	_ =	swait.ge [sflag:s15], $0x1500  }
0x53: {  	[sflag:s15] =	ssyncset.done $0x0  }
0x54: {  	s13 =	simm.s32 $0x1500;
	s17 =	rddreg [dreg:$0x9];
	[sflag:s15] =	ssyncadd.s32 $0xFFFFEB00  }
0x55: {  	[tilespmem:s13], [sflag:$0xA] =	stream.linear.gather [hbm4b:s17+s5], $0x1500, $0x38;
	[tilespmem:$0x1CE80] =	vst v63  }
0x56: {  	_ =	swait.ge [sflag:s15], $0x1500  }
0x57: {  	[sflag:s15] =	ssyncset.done $0x0  }
0x58: {  	[sflag:s15] =	ssyncadd.s32 $0xFFFFEB00  }
0x59: {  	v1 =	vld [tilespmem:$0x1500]  }
0x5a: {  	v2 =	vld [tilespmem:$0x1510]  }
0x5b: {  	v3 =	vld [tilespmem:$0x1520]  }
0x5c: {  	v4 =	vld [tilespmem:$0x1530]  }
0x5d: {  	v5 =	vld [tilespmem:$0x1540]  }
0x5e: {  	[tilespmem:$0x2A00] =	vst v1;
	v1 =	vld [tilespmem:$0x1550]  }
0x5f: {  	[tilespmem:$0x2A10] =	vst v2;
	v2 =	vld [tilespmem:$0x1560]  }
0x60: {  	[tilespmem:$0x2A20] =	vst v3;
	v3 =	vld [tilespmem:$0x1570]  }
0x61: {  	[tilespmem:$0x2A30] =	vst v4  }
0x62: {  	[tilespmem:$0x2A80] =	vst v5  }
0x63: {  	[tilespmem:$0x2A90] =	vst v1  }
0x64: {  	[tilespmem:$0x2AA0] =	vst v2  }
0x65: {  	[tilespmem:$0x2AB0] =	vst v3  }
0x66: {  	[tilespmem:s19], [sflag:$0x1] =	stream.indirect.gather [hbm4b:s1+s18], $0x80, s5, s18, $0xb8;
	[tilespmem:$0x1CE80] =	vst v63  }
0x67: {  	s12 =	simm.s32 $0x0  }
0x68: {  	[tilespmem:s20], [sflag:$0x2] =	stream.indirect.gather [hbm4b:s1+s18], $0x80, s18, s18, $0xb8;
	[tilespmem:$0x1CE80] =	vst v63  }
.LBB2_2:
0x69: {  	_ =	swait.ge [sflag:s21], $0x2000  }
0x6a: {  	[sflag:s21] =	ssyncset.done $0x0  }
0x6b: {  	p0 =	seq.s32 s12, $0x0;
	[sflag:s21] =	ssyncadd.s32 $0xFFFFE000  }
0x6c: {  	[spmem:s3] =	stream.indirect.scatter.add.f32 [tilespmem:s19], [sflag:$0x4], $0x80, s23, s18, $0xb8;
	[tilespmem:$0x1CE80] =	vst v63  }
0x6d: {  	s17 =	simm.s32 @!p0 $0x6  }
0x6e: {  	[spmem:s4] =	stream.indirect.scatter.add.f32 [tilespmem:s25], [sflag:$0x7], $0x1, s23, s18, $0xb8;
	[tilespmem:$0x1CE80] =	vst v63  }
0x6f: {  	_ =	swait.ge @!p0 [sflag:s17], $0x2000  }
0x70: {  	[sflag:s17] =	ssyncset.done @!p0 $0x0  }
0x71: {  	[sflag:s17] =	ssyncadd.s32 @!p0 $0xFFFFE000;
	s17 =	simm.s32 @!p0 $0x9  }
0x72: {  	_ =	swait.ge @!p0 [sflag:s17], $0x40  }
0x73: {  	[sflag:s17] =	ssyncset.done @!p0 $0x0  }
0x74: {  	[sflag:s17] =	ssyncadd.s32 @!p0 $0xFFFFFFC0;
	s17 =	sshra.s32 s12, $0x2  }
0x75: {  	v1 =	vld [tilespmem:s17+$0x1580];
	_ =	sdelay $0x4  }
0x76: {  	[tilespmem:$0x2B00] =	vst v1  }
0x77: {  	v1 =	vld [tilespmem:s17+$0x1590];
	_ =	sdelay $0x4  }
0x78: {  	[tilespmem:$0x2B10] =	vst v1  }
0x79: {  	v1 =	vld [tilespmem:s17+$0x15A0];
	_ =	sdelay $0x4  }
0x7a: {  	[tilespmem:$0x2B20] =	vst v1  }
0x7b: {  	v1 =	vld [tilespmem:s17+$0x15B0];
	_ =	sdelay $0x4  }
0x7c: {  	s13 =	sadd.s32 $0x80, s17;
	[tilespmem:$0x2B30] =	vst v1  }
0x7d: {  	[tilespmem:s26], [sflag:$0x3] =	stream.indirect.gather [hbm4b:s1+s18], $0x80, s13, s18, $0xb8;
	[tilespmem:$0x1CE80] =	vst v63  }
0x7e: {  	p0 =	seq.s32 s12, $0x5100;
	_ =	swait.ge [sflag:s28], $0x2000  }
.Ltmp2:
0x7f: {  	[sflag:s28] =	ssyncset.done $0x0;
	(pc) =	sbr.rel @p0 .LBB2_4-.Ltmp2, $4  }
0x80: {  	[sflag:s28] =	ssyncadd.s32 $0xFFFFE000  }
0x81: {  	[spmem:s3] =	stream.indirect.scatter.add.f32 [tilespmem:s20], [sflag:$0x5], $0x80, s29, s18, $0xb8;
	[tilespmem:$0x1CE80] =	vst v63  }
0x82: {  	_ = 	snop  }
0x83: {  	[spmem:s4] =	stream.indirect.scatter.add.f32 [tilespmem:s25], [sflag:$0x8], $0x1, s29, s18, $0xb8;
	[tilespmem:$0x1CE80] =	vst v63  }
0x84: {  	_ =	swait.ge [sflag:s0], $0x2000  }
0x85: {  	[sflag:s0] =	ssyncset.done $0x0  }
0x86: {  	[sflag:s0] =	ssyncadd.s32 $0xFFFFE000  }
0x87: {  	_ =	swait.ge [sflag:s2], $0x40  }
0x88: {  	[sflag:s2] =	ssyncset.done $0x0  }
0x89: {  	[sflag:s2] =	ssyncadd.s32 $0xFFFFFFC0  }
0x8a: {  	v1 =	vld [tilespmem:s17+$0x15C0];
	_ =	sdelay $0x4  }
0x8b: {  	[tilespmem:$0x2A00] =	vst v1  }
0x8c: {  	v1 =	vld [tilespmem:s17+$0x15D0];
	_ =	sdelay $0x4  }
0x8d: {  	[tilespmem:$0x2A10] =	vst v1  }
0x8e: {  	v1 =	vld [tilespmem:s17+$0x15E0];
	_ =	sdelay $0x4  }
0x8f: {  	[tilespmem:$0x2A20] =	vst v1  }
0x90: {  	v1 =	vld [tilespmem:s17+$0x15F0];
	_ =	sdelay $0x4  }
0x91: {  	s13 =	sadd.s32 $0xC0, s17;
	[tilespmem:$0x2A30] =	vst v1  }
0x92: {  	[tilespmem:s19], [sflag:$0x1] =	stream.indirect.gather [hbm4b:s1+s18], $0x80, s13, s18, $0xb8;
	[tilespmem:$0x1CE80] =	vst v63  }
0x93: {  	_ =	swait.ge [sflag:s30], $0x2000  }
0x94: {  	[sflag:s30] =	ssyncset.done $0x0  }
0x95: {  	[sflag:s30] =	ssyncadd.s32 $0xFFFFE000  }
0x96: {  	[spmem:s3] =	stream.indirect.scatter.add.f32 [tilespmem:s26], [sflag:$0x6], $0x80, s31, s18, $0xb8;
	[tilespmem:$0x1CE80] =	vst v63  }
0x97: {  	_ = 	snop  }
0x98: {  	[spmem:s4] =	stream.indirect.scatter.add.f32 [tilespmem:s25], [sflag:$0x9], $0x1, s31, s18, $0xb8;
	[tilespmem:$0x1CE80] =	vst v63  }
0x99: {  	_ =	swait.ge [sflag:s6], $0x2000  }
0x9a: {  	[sflag:s6] =	ssyncset.done $0x0  }
0x9b: {  	[sflag:s6] =	ssyncadd.s32 $0xFFFFE000  }
0x9c: {  	_ =	swait.ge [sflag:s8], $0x40  }
0x9d: {  	[sflag:s8] =	ssyncset.done $0x0  }
0x9e: {  	[sflag:s8] =	ssyncadd.s32 $0xFFFFFFC0  }
0x9f: {  	v1 =	vld [tilespmem:s17+$0x1600];
	_ =	sdelay $0x4  }
0xa0: {  	[tilespmem:$0x2A80] =	vst v1  }
0xa1: {  	v1 =	vld [tilespmem:s17+$0x1610];
	_ =	sdelay $0x4  }
0xa2: {  	[tilespmem:$0x2A90] =	vst v1  }
0xa3: {  	v1 =	vld [tilespmem:s17+$0x1620];
	_ =	sdelay $0x4  }
0xa4: {  	[tilespmem:$0x2AA0] =	vst v1  }
0xa5: {  	v1 =	vld [tilespmem:s17+$0x1630];
	_ =	sdelay $0x1  }
.Ltmp3:
0xa6: {  	_ = 	snop;
	(pc) =	sbr.rel .LBB2_2-.Ltmp3, $3  }
0xa7: {  	_ =	sdelay $0x1  }
0xa8: {  	s12 =	sadd.s32 $0x300, s12;
	s17 =	sadd.s32 $0x100, s17;
	[tilespmem:$0x2AB0] =	vst v1  }
0xa9: {  	[tilespmem:s20], [sflag:$0x2] =	stream.indirect.gather [hbm4b:s1+s18], $0x80, s17, s18, $0xb8;
	[tilespmem:$0x1CE80] =	vst v63  }
.LBB2_4:
0xaa: {  	_ =	swait.ge [sflag:s30], $0x2000  }
0xab: {  	[sflag:s30] =	ssyncset.done $0x0  }
0xac: {  	[sflag:s30] =	ssyncadd.s32 $0xFFFFE000  }
0xad: {  	[spmem:s3] =	stream.indirect.scatter.add.f32 [tilespmem:s26], [sflag:$0x6], $0x80, s31, s18, $0xb8;
	[tilespmem:$0x1CE80] =	vst v63  }
0xae: {  	_ = 	snop  }
0xaf: {  	[spmem:s4] =	stream.indirect.scatter.add.f32 [tilespmem:s25], [sflag:$0x9], $0x1, s31, s18, $0xb8;
	[tilespmem:$0x1CE80] =	vst v63  }
0xb0: {  	_ =	swait.ge [sflag:s0], $0x2000  }
0xb1: {  	[sflag:s0] =	ssyncset.done $0x0  }
0xb2: {  	[sflag:s0] =	ssyncadd.s32 $0xFFFFE000  }
0xb3: {  	_ =	swait.ge [sflag:s2], $0x40  }
0xb4: {  	[sflag:s2] =	ssyncset.done $0x0  }
0xb5: {  	[sflag:s2] =	ssyncadd.s32 $0xFFFFFFC0  }
0xb6: {  	_ =	swait.ge [sflag:s6], $0x2000  }
0xb7: {  	[sflag:s6] =	ssyncset.done $0x0  }
0xb8: {  	[sflag:s6] =	ssyncadd.s32 $0xFFFFE000  }
0xb9: {  	_ =	swait.ge [sflag:s8], $0x40  }
0xba: {  	[sflag:s8] =	ssyncset.done $0x0  }
0xbb: {  	[sflag:s8] =	ssyncadd.s32 $0xFFFFFFC0  }
0xbc: {  	_ =	swait.ge [sflag:s9], $0x2000  }
0xbd: {  	[sflag:s9] =	ssyncset.done $0x0  }
0xbe: {  	[sflag:s9] =	ssyncadd.s32 $0xFFFFE000  }
0xbf: {  	_ =	swait.ge [sflag:s10], $0x40  }
0xc0: {  	[sflag:s10] =	ssyncset.done $0x0  }
0xc1: {  	s12 =	simm.s32 $0x0;
	s13 =	rddreg [dreg:$0xa];
	[sflag:s10] =	ssyncadd.s32 $0xFFFFFFC0  }
0xc2: {  	[tilespmem:s12], [sflag:$0xA] =	stream.linear.gather [hbm4b:s13+s12], $0x1500, $0x38;
	[tilespmem:$0x1CE80] =	vst v63  }
0xc3: {  	_ =	swait.ge [sflag:s15], $0x1500  }
0xc4: {  	[sflag:s15] =	ssyncset.done $0x0  }
0xc5: {  	s17 =	simm.s32 $0x1500;
	s13 =	rddreg [dreg:$0xb];
	[sflag:s15] =	ssyncadd.s32 $0xFFFFEB00  }
0xc6: {  	[tilespmem:s17], [sflag:$0xA] =	stream.linear.gather [hbm4b:s13+s12], $0x1500, $0x38;
	[tilespmem:$0x1CE80] =	vst v63  }
0xc7: {  	_ =	swait.ge [sflag:s15], $0x1500  }
0xc8: {  	[sflag:s15] =	ssyncset.done $0x0  }
0xc9: {  	[sflag:s15] =	ssyncadd.s32 $0xFFFFEB00  }
0xca: {  	v1 =	vld [tilespmem:$0x1500]  }
0xcb: {  	v2 =	vld [tilespmem:$0x1510]  }
0xcc: {  	v3 =	vld [tilespmem:$0x1520]  }
0xcd: {  	v4 =	vld [tilespmem:$0x1530]  }
0xce: {  	v5 =	vld [tilespmem:$0x1540]  }
0xcf: {  	[tilespmem:$0x2A00] =	vst v1;
	v1 =	vld [tilespmem:$0x1550]  }
0xd0: {  	[tilespmem:$0x2A10] =	vst v2;
	v2 =	vld [tilespmem:$0x1560]  }
0xd1: {  	[tilespmem:$0x2A20] =	vst v3;
	v3 =	vld [tilespmem:$0x1570]  }
0xd2: {  	[tilespmem:$0x2A30] =	vst v4  }
0xd3: {  	[tilespmem:$0x2A80] =	vst v5  }
0xd4: {  	[tilespmem:$0x2A90] =	vst v1  }
0xd5: {  	[tilespmem:$0x2AA0] =	vst v2  }
0xd6: {  	[tilespmem:$0x2AB0] =	vst v3  }
0xd7: {  	[tilespmem:s19], [sflag:$0x1] =	stream.indirect.gather [hbm4b:s1+s18], $0x80, s12, s18, $0xb8;
	[tilespmem:$0x1CE80] =	vst v63  }
0xd8: {  	_ = 	snop  }
0xd9: {  	[tilespmem:s20], [sflag:$0x2] =	stream.indirect.gather [hbm4b:s1+s18], $0x80, s18, s18, $0xb8;
	[tilespmem:$0x1CE80] =	vst v63  }
.LBB2_5:
0xda: {  	_ =	swait.ge [sflag:s21], $0x2000  }
0xdb: {  	[sflag:s21] =	ssyncset.done $0x0  }
0xdc: {  	p0 =	seq.s32 s12, $0x0;
	[sflag:s21] =	ssyncadd.s32 $0xFFFFE000  }
0xdd: {  	[spmem:s3] =	stream.indirect.scatter.add.f32 [tilespmem:s19], [sflag:$0x4], $0x80, s23, s18, $0xb8;
	[tilespmem:$0x1CE80] =	vst v63  }
0xde: {  	s13 =	simm.s32 @!p0 $0x6  }
0xdf: {  	[spmem:s4] =	stream.indirect.scatter.add.f32 [tilespmem:s25], [sflag:$0x7], $0x1, s23, s18, $0xb8;
	[tilespmem:$0x1CE80] =	vst v63  }
0xe0: {  	_ =	swait.ge @!p0 [sflag:s13], $0x2000  }
0xe1: {  	[sflag:s13] =	ssyncset.done @!p0 $0x0  }
0xe2: {  	[sflag:s13] =	ssyncadd.s32 @!p0 $0xFFFFE000;
	s13 =	simm.s32 @!p0 $0x9  }
0xe3: {  	_ =	swait.ge @!p0 [sflag:s13], $0x40  }
0xe4: {  	[sflag:s13] =	ssyncset.done @!p0 $0x0  }
0xe5: {  	s17 =	sshra.s32 s12, $0x2;
	[sflag:s13] =	ssyncadd.s32 @!p0 $0xFFFFFFC0  }
0xe6: {  	v1 =	vld [tilespmem:s17+$0x1580];
	_ =	sdelay $0x4  }
0xe7: {  	[tilespmem:$0x2B00] =	vst v1  }
0xe8: {  	v1 =	vld [tilespmem:s17+$0x1590];
	_ =	sdelay $0x4  }
0xe9: {  	[tilespmem:$0x2B10] =	vst v1  }
0xea: {  	v1 =	vld [tilespmem:s17+$0x15A0];
	_ =	sdelay $0x4  }
0xeb: {  	[tilespmem:$0x2B20] =	vst v1  }
0xec: {  	v1 =	vld [tilespmem:s17+$0x15B0];
	_ =	sdelay $0x4  }
0xed: {  	s13 =	sadd.s32 $0x80, s17;
	[tilespmem:$0x2B30] =	vst v1  }
0xee: {  	[tilespmem:s26], [sflag:$0x3] =	stream.indirect.gather [hbm4b:s1+s18], $0x80, s13, s18, $0xb8;
	[tilespmem:$0x1CE80] =	vst v63  }
0xef: {  	p0 =	seq.s32 s12, $0x5100;
	_ =	swait.ge [sflag:s28], $0x2000  }
.Ltmp4:
0xf0: {  	[sflag:s28] =	ssyncset.done $0x0;
	(pc) =	sbr.rel @p0 .LBB2_7-.Ltmp4, $4  }
0xf1: {  	[sflag:s28] =	ssyncadd.s32 $0xFFFFE000  }
0xf2: {  	[spmem:s3] =	stream.indirect.scatter.add.f32 [tilespmem:s20], [sflag:$0x5], $0x80, s29, s18, $0xb8;
	[tilespmem:$0x1CE80] =	vst v63  }
0xf3: {  	_ = 	snop  }
0xf4: {  	[spmem:s4] =	stream.indirect.scatter.add.f32 [tilespmem:s25], [sflag:$0x8], $0x1, s29, s18, $0xb8;
	[tilespmem:$0x1CE80] =	vst v63  }
0xf5: {  	_ =	swait.ge [sflag:s0], $0x2000  }
0xf6: {  	[sflag:s0] =	ssyncset.done $0x0  }
0xf7: {  	[sflag:s0] =	ssyncadd.s32 $0xFFFFE000  }
0xf8: {  	_ =	swait.ge [sflag:s2], $0x40  }
0xf9: {  	[sflag:s2] =	ssyncset.done $0x0  }
0xfa: {  	[sflag:s2] =	ssyncadd.s32 $0xFFFFFFC0  }
0xfb: {  	v1 =	vld [tilespmem:s17+$0x15C0];
	_ =	sdelay $0x4  }
0xfc: {  	[tilespmem:$0x2A00] =	vst v1  }
0xfd: {  	v1 =	vld [tilespmem:s17+$0x15D0];
	_ =	sdelay $0x4  }
0xfe: {  	[tilespmem:$0x2A10] =	vst v1  }
0xff: {  	v1 =	vld [tilespmem:s17+$0x15E0];
	_ =	sdelay $0x4  }
0x100: {  	[tilespmem:$0x2A20] =	vst v1  }
0x101: {  	v1 =	vld [tilespmem:s17+$0x15F0];
	_ =	sdelay $0x4  }
0x102: {  	s13 =	sadd.s32 $0xC0, s17;
	[tilespmem:$0x2A30] =	vst v1  }
0x103: {  	[tilespmem:s19], [sflag:$0x1] =	stream.indirect.gather [hbm4b:s1+s18], $0x80, s13, s18, $0xb8;
	[tilespmem:$0x1CE80] =	vst v63  }
0x104: {  	_ =	swait.ge [sflag:s30], $0x2000  }
0x105: {  	[sflag:s30] =	ssyncset.done $0x0  }
0x106: {  	[sflag:s30] =	ssyncadd.s32 $0xFFFFE000  }
0x107: {  	[spmem:s3] =	stream.indirect.scatter.add.f32 [tilespmem:s26], [sflag:$0x6], $0x80, s31, s18, $0xb8;
	[tilespmem:$0x1CE80] =	vst v63  }
0x108: {  	_ = 	snop  }
0x109: {  	[spmem:s4] =	stream.indirect.scatter.add.f32 [tilespmem:s25], [sflag:$0x9], $0x1, s31, s18, $0xb8;
	[tilespmem:$0x1CE80] =	vst v63  }
0x10a: {  	_ =	swait.ge [sflag:s6], $0x2000  }
0x10b: {  	[sflag:s6] =	ssyncset.done $0x0  }
0x10c: {  	[sflag:s6] =	ssyncadd.s32 $0xFFFFE000  }
0x10d: {  	_ =	swait.ge [sflag:s8], $0x40  }
0x10e: {  	[sflag:s8] =	ssyncset.done $0x0  }
0x10f: {  	[sflag:s8] =	ssyncadd.s32 $0xFFFFFFC0  }
0x110: {  	v1 =	vld [tilespmem:s17+$0x1600];
	_ =	sdelay $0x4  }
0x111: {  	[tilespmem:$0x2A80] =	vst v1  }
0x112: {  	v1 =	vld [tilespmem:s17+$0x1610];
	_ =	sdelay $0x4  }
0x113: {  	[tilespmem:$0x2A90] =	vst v1  }
0x114: {  	v1 =	vld [tilespmem:s17+$0x1620];
	_ =	sdelay $0x4  }
0x115: {  	[tilespmem:$0x2AA0] =	vst v1  }
0x116: {  	v1 =	vld [tilespmem:s17+$0x1630];
	_ =	sdelay $0x1  }
.Ltmp5:
0x117: {  	_ = 	snop;
	(pc) =	sbr.rel .LBB2_5-.Ltmp5, $3  }
0x118: {  	_ =	sdelay $0x1  }
0x119: {  	s12 =	sadd.s32 $0x300, s12;
	s17 =	sadd.s32 $0x100, s17;
	[tilespmem:$0x2AB0] =	vst v1  }
0x11a: {  	[tilespmem:s20], [sflag:$0x2] =	stream.indirect.gather [hbm4b:s1+s18], $0x80, s17, s18, $0xb8;
	[tilespmem:$0x1CE80] =	vst v63  }
.LBB2_8:
0x11b: {  	_ =	sfence.sel $0x180000  }
0x11c: {  	[bflag:$0x0] =	sbarrier.arrive $0xFFFF  }
0x11d: {  	_ =	strace $0x90000047  }
0x11e: {  	s0 =	stileid.u32;
	[bflag:$0x2] =	sbarrier.arrive $0xFFFF  }
0x11f: {  	p0 =	sne.s32 s0, $0x0;
	s0 =	rddreg [dreg:$0x5]  }
0x120: {  	s0 =	sadd.s32 @!p0 $0x100000, s0  }
0x121: {  	[sflag:s0] =	ssyncadd.tile.s32 @!p0 $0x1;
	_ =	shalt  }
.Lfunc_end2:
_tile_overlayer_lowered:
.L_overlay_start_2:
0x122: {  	(tag) =	ssettag $0x2  }
0x123: {  	s0 =	rddreg [dreg:$0x0];
	s2 =	stileid.u32  }
0x124: {  	s1 =	rddreg [dreg:$0x1];
	p0 =	sne.s32 s2, $0x0  }
0x125: {  	s3 =	rddreg [dreg:$0x2];
	[bflag:$0x3] =	sbarrier.arrive $0xFFFF;
	s2 =	simm.s32 @!p0 $0x1C0A  }
0x126: {  	[timem:s3], [sflag:s2] =	dma.local @!p0 [hbm:s0], s1  }
0x127: {  	s0 =	simm.s32 @!p0 $0xA  }
0x128: {  	_ =	swait.ge @!p0 [sflag:s0], s1  }
0x129: {  	s1 =	ssub.s32 @!p0 $0x0, s1;
	[sflag:s0] =	ssyncset.done @!p0 $0x0  }
0x12a: {  	[sflag:s0] =	ssyncadd.s32 @!p0 s1  }
0x12b: {  	[bflag:$0x3] =	sbarrier.arrive $0xFFFF  }
0x12c: {  	_ =	shalt  }

</sc_bundles>
